<compile_context>
chip_gen: v7x
topology: tpu7x:2x2x1
jax: 0.10.2.dev20260603
libtpu: 0.0.44.dev20260713+nightly
codegen_flags: <defaults>
</compile_context>

<pallas_src>
import functools

import jax
import jax.numpy as jnp
from jax import lax
from jax.experimental import pallas as pl
from jax.experimental.pallas import tpu as pltpu
from jax.experimental.pallas import tpu_sc as plsc

N = 10000
E = 320000
D = 128

NS = 16
LANES = 16

N_PAD = 10240
PAD_ROW = N
E_PAD = 327680

BLK = 64
NBLK = E_PAD // BLK
BLK_PER_TILE = NBLK // NS
IDX_GRP = 64
N_GRP = BLK_PER_TILE // IDX_GRP
NBUF = 4

ROWS_PER_TILE = N_PAD // NS
ROW_CHUNK = 64
N_ROW_CHUNKS = ROWS_PER_TILE // ROW_CHUNK

EPT = E_PAD // NS
ECH = 2048
N_ECH = EPT // ECH
IT_LOGITS = ECH // LANES


def _tc_encode_matmul(feats, W0, W1):
    def body(f_ref, w0_ref, w1_ref, h0_ref, h1_ref):
        f = f_ref[...]
        ztail = jnp.zeros((N_PAD - N, D), jnp.float32)
        h0_ref[pl.ds(0, N), :] = jnp.dot(f, w0_ref[...],
                                         preferred_element_type=jnp.float32)
        h1_ref[pl.ds(0, N), :] = jnp.dot(f, w1_ref[...],
                                         preferred_element_type=jnp.float32)
        h0_ref[pl.ds(N, N_PAD - N), :] = ztail
        h1_ref[pl.ds(N, N_PAD - N), :] = ztail

    return pl.pallas_call(
        body,
        out_shape=[jax.ShapeDtypeStruct((N_PAD, D), jnp.float32)] * 2,
    )(feats, W0, W1)


def _tc_relu_proj(agg0, agg1, We2T, b2):
    dn = (((1,), (1,)), ((), ()))

    def body(a0_ref, a1_ref, w_ref, b_ref, s0_ref, s1_ref):
        w = w_ref[...]
        bias = jnp.where(
            lax.broadcasted_iota(jnp.int32, (2, N_PAD), 0) == 0, b_ref[0, 0], 0.0
        )
        r0 = jnp.maximum(a0_ref[...], 0.0)
        r1 = jnp.maximum(a1_ref[...], 0.0)
        s0_ref[...] = lax.dot_general(
            w, r0, dn, preferred_element_type=jnp.float32) + bias
        s1_ref[...] = lax.dot_general(
            w, r1, dn, preferred_element_type=jnp.float32) + bias

    return pl.pallas_call(
        body,
        out_shape=[jax.ShapeDtypeStruct((2, N_PAD), jnp.float32)] * 2,
    )(agg0, agg1, We2T, b2)


def _sc_segment_sum(h0, h1, src0, dst0, src1, dst1):
    mesh = plsc.VectorSubcoreMesh(core_axis_name="c", subcore_axis_name="s")

    @functools.partial(
        pl.kernel,
        out_type=[jax.ShapeDtypeStruct((N_PAD, D), jnp.float32)] * 2,
        mesh=mesh,
        scratch_types=[
            pltpu.VMEM_SHARED((N_PAD, D), jnp.float32),
            pltpu.VMEM((IDX_GRP, BLK), jnp.int32),
            pltpu.VMEM((IDX_GRP, BLK), jnp.int32),
            [pltpu.VMEM((BLK, D), jnp.float32)] * NBUF,
            [pltpu.SemaphoreType.DMA] * NBUF,
        ],
    )
    def k(h0_hbm, h1_hbm, s0_hbm, d0_hbm, s1_hbm, d1_hbm,
          agg0_hbm, agg1_hbm,
          acc, sidx, didx, rings, sems):
        c = lax.axis_index("c")
        s = lax.axis_index("s")

        def zfill(i, carry):
            r = i // (D // LANES)
            col = (i % (D // LANES)) * LANES
            rings[0][r, pl.ds(col, LANES)] = jnp.zeros((LANES,), jnp.float32)
            return carry

        lax.fori_loop(0, ROW_CHUNK * (D // LANES), zfill, 0)
        row0 = s * ROWS_PER_TILE

        def zcopy(j, carry):
            pltpu.sync_copy(rings[0],
                            acc.at[pl.ds(row0 + j * ROW_CHUNK, ROW_CHUNK)])
            return carry

        lax.fori_loop(0, N_ROW_CHUNKS, zcopy, 0)
        plsc.subcore_barrier()

        blk0 = s * BLK_PER_TILE

        def edge_loop(h_hbm, src_hbm, dst_hbm):
            def gather(i, b):
                return pltpu.make_async_copy(h_hbm.at[sidx.at[i]],
                                             rings[b], sems[b])

            def grp_body(g, carry):
                gb = blk0 + g * IDX_GRP
                pltpu.sync_copy(src_hbm.at[pl.ds(gb, IDX_GRP)], sidx)
                pltpu.sync_copy(dst_hbm.at[pl.ds(gb, IDX_GRP)], didx)
                for b in range(NBUF - 1):
                    gather(b, b).start()

                def step(j, carry2):
                    i0 = j * NBUF
                    for b in range(NBUF):
                        i = i0 + b
                        gather(i, b).wait()
                        pltpu.sync_copy(rings[b], acc.at[didx.at[i]], add=True)

                        @pl.when(i + NBUF - 1 < IDX_GRP)
                        def _():
                            gather(i + NBUF - 1, (b + NBUF - 1) % NBUF).start()

                    return carry2

                lax.fori_loop(0, IDX_GRP // NBUF, step, 0)
                return carry

            lax.fori_loop(0, N_GRP, grp_body, 0)

        @pl.when(c == 0)
        def _():
            edge_loop(h0_hbm, s0_hbm, d0_hbm)

        @pl.when(c == 1)
        def _():
            edge_loop(h1_hbm, s1_hbm, d1_hbm)

        plsc.subcore_barrier()

        def copy_out(agg_hbm):
            def cp(j, carry):
                r = row0 + j * ROW_CHUNK
                pltpu.sync_copy(acc.at[pl.ds(r, ROW_CHUNK)],
                                agg_hbm.at[pl.ds(r, ROW_CHUNK)])
                return carry

            lax.fori_loop(0, N_ROW_CHUNKS, cp, 0)

        @pl.when(c == 0)
        def _():
            copy_out(agg0_hbm)

        @pl.when(c == 1)
        def _():
            copy_out(agg1_hbm)

    return k(h0, h1, src0, dst0, src1, dst1)


def _sc_edge_logits(s0, s1, es0, ed0, es1, ed1):
    mesh = plsc.VectorSubcoreMesh(core_axis_name="c", subcore_axis_name="s")

    @functools.partial(
        pl.kernel,
        out_type=[jax.ShapeDtypeStruct((E_PAD,), jnp.float32)] * 2,
        mesh=mesh,
        compiler_params=pltpu.CompilerParams(needs_layout_passes=False),
        scratch_types=[
            pltpu.VMEM((2 * N_PAD,), jnp.float32),
            pltpu.VMEM((ECH,), jnp.int32),
            pltpu.VMEM((ECH,), jnp.int32),
            pltpu.VMEM((ECH,), jnp.float32),
        ],
    )
    def k(s0_hbm, s1_hbm, es0_hbm, ed0_hbm, es1_hbm, ed1_hbm,
          out0_hbm, out1_hbm,
          stab, sbuf, dbuf, obuf):
        c = lax.axis_index("c")
        s = lax.axis_index("s")
        base = s * EPT

        def view_loop(s_hbm, es_hbm, ed_hbm, out_hbm):
            pltpu.sync_copy(s_hbm, stab)

            def chunk(cc, carry):
                cb = base + cc * ECH
                pltpu.sync_copy(es_hbm.at[pl.ds(cb, ECH)], sbuf)
                pltpu.sync_copy(ed_hbm.at[pl.ds(cb, ECH)], dbuf)

                def it(i, carry2):
                    off = pl.multiple_of(i * LANES, LANES)
                    si = sbuf[pl.ds(off, LANES)]
                    di = dbuf[pl.ds(off, LANES)] + N_PAD
                    g1 = plsc.load_gather(stab, [si])
                    g2 = plsc.load_gather(stab, [di])
                    obuf[pl.ds(off, LANES)] = g1 + g2
                    return carry2

                lax.fori_loop(0, IT_LOGITS, it, 0)
                pltpu.sync_copy(obuf, out_hbm.at[pl.ds(cb, ECH)])
                return carry

            lax.fori_loop(0, N_ECH, chunk, 0)

        @pl.when(c == 0)
        def _():
            view_loop(s0_hbm, es0_hbm, ed0_hbm, out0_hbm)

        @pl.when(c == 1)
        def _():
            view_loop(s1_hbm, es1_hbm, ed1_hbm, out1_hbm)

    return k(s0, s1, es0, ed0, es1, ed1)


def _pad_idx(x):
    return jnp.concatenate(
        [x, jnp.full((E_PAD - E,), PAD_ROW, dtype=jnp.int32)]
    )


def kernel(feats, adj_edge_index_0, adj_edge_index_1, edge_index_0,
           edge_index_1, W0, W1, W_edge, b_edge):
    adj0 = adj_edge_index_0.astype(jnp.int32)
    adj1 = adj_edge_index_1.astype(jnp.int32)
    ei0 = edge_index_0.astype(jnp.int32)
    ei1 = edge_index_1.astype(jnp.int32)

    h0, h1 = _tc_encode_matmul(feats, W0, W1)

    src0 = _pad_idx(adj0[0]).reshape(NBLK, BLK)
    dst0 = _pad_idx(adj0[1]).reshape(NBLK, BLK)
    src1 = _pad_idx(adj1[0]).reshape(NBLK, BLK)
    dst1 = _pad_idx(adj1[1]).reshape(NBLK, BLK)
    agg0, agg1 = _sc_segment_sum(h0, h1, src0, dst0, src1, dst1)

    We2T = W_edge.reshape(2, D)
    b2 = b_edge.reshape(1, 1)
    s0, s1 = _tc_relu_proj(agg0, agg1, We2T, b2)

    l0, l1 = _sc_edge_logits(s0.reshape(2 * N_PAD), s1.reshape(2 * N_PAD),
                             _pad_idx(ei0[0]), _pad_idx(ei0[1]),
                             _pad_idx(ei1[0]), _pad_idx(ei1[1]))
    return (l0[:E].reshape(E, 1), l1[:E].reshape(E, 1))

# --- scband reference (transcript-rebuilt; emitter-appended) ---
"""Pipeline reference for scband-generator-79345225826733 (READ-ONLY COPY).

The authoritative reference and input builder live on the scoring server;
editing this copy changes nothing except your own understanding.
"""

import jax, jax.numpy as jnp
import numpy as np

N = 10000
E = 320000
D = 128


def setup_inputs(seed: int = 0) -> dict:
    key = jax.random.key(seed)
    ks = jax.random.split(key, 9)
    feats = jax.random.normal(ks[0], (N, D), dtype=jnp.float32)
    adj_edge_index_0 = jax.random.randint(ks[1], (2, E), 0, N, dtype=jnp.int64) if jax.config.jax_enable_x64 else jax.random.randint(ks[1], (2, E), 0, N).astype(jnp.int32)
    adj_edge_index_1 = jax.random.randint(ks[2], (2, E), 0, N).astype(adj_edge_index_0.dtype)
    edge_index_0 = jax.random.randint(ks[3], (2, E), 0, N).astype(adj_edge_index_0.dtype)
    edge_index_1 = jax.random.randint(ks[4], (2, E), 0, N).astype(adj_edge_index_0.dtype)
    # encoder per-view weights (xavier uniform)
    lim_w = float(np.sqrt(6.0 / (D + D)))
    W0 = jax.random.uniform(ks[5], (D, D), minval=-lim_w, maxval=lim_w, dtype=jnp.float32)
    W1 = jax.random.uniform(ks[6], (D, D), minval=-lim_w, maxval=lim_w, dtype=jnp.float32)
    # mlp_edge_model: Linear(2*D, 1), xavier uniform weight, zero bias
    lim_e = float(np.sqrt(6.0 / (2 * D + 1)))
    W_edge = jax.random.uniform(ks[7], (2 * D, 1), minval=-lim_e, maxval=lim_e, dtype=jnp.float32)
    b_edge = jnp.zeros((1,), dtype=jnp.float32)
    return {
        'feats': feats,
        'adj_edge_index_0': adj_edge_index_0,
        'adj_edge_index_1': adj_edge_index_1,
        'edge_index_0': edge_index_0,
        'edge_index_1': edge_index_1,
        'W0': W0,
        'W1': W1,
        'W_edge': W_edge,
        'b_edge': b_edge,
    }


def reference(feats, adj_edge_index_0, adj_edge_index_1, edge_index_0, edge_index_1, W0, W1, W_edge, b_edge):
    # Encoder: one GCN-style propagation per view (gather -> scatter-add -> relu)
    def encode(adj, W):
        h = feats @ W                                   # [N, D]
        msg = jnp.take(h, adj[0], axis=0)               # gather from src [E, D]
        agg = jax.ops.segment_sum(msg, adj[1], num_segments=N)  # scatter-add to dst
        return jax.nn.relu(agg)

    embeds_list = [encode(adj_edge_index_0, W0), encode(adj_edge_index_1, W1)]
    z_mp = (embeds_list[0] + embeds_list[1]) / 2.0  # computed by encoder, unused downstream (matches original)

    edge_logits_list = []
    for emb, ei in zip(embeds_list, [edge_index_0, edge_index_1]):
        src, dst = ei[0], ei[1]
        emb_src = jnp.take(emb, src, axis=0)            # [E, D]
        emb_dst = jnp.take(emb, dst, axis=0)            # [E, D]
        edge_emb = jnp.concatenate([emb_src, emb_dst], axis=1)  # [E, 2D]
        edge_logits = edge_emb @ W_edge + b_edge        # [E, 1]
        edge_logits_list.append(edge_logits)
    return (edge_logits_list[0], edge_logits_list[1])

if __name__ == "__main__":
    import jax
    _d = setup_inputs()
    print(jax.jit(kernel)(*tuple(_d.values())))

</pallas_src>

<mosaic_0001>
#map = affine_map<(d0, d1) -> (0)>
module attributes {stable_mosaic.version = 14 : i64} {
  func.func @k(%arg0: i32, %arg1: i32, %arg2: memref<20480xf32, #tpu.memory_space<hbm>>, %arg3: memref<20480xf32, #tpu.memory_space<hbm>>, %arg4: memref<327680xi32, #tpu.memory_space<hbm>>, %arg5: memref<327680xi32, #tpu.memory_space<hbm>>, %arg6: memref<327680xi32, #tpu.memory_space<hbm>>, %arg7: memref<327680xi32, #tpu.memory_space<hbm>>, %arg8: memref<327680xf32, #tpu.memory_space<hbm>>, %arg9: memref<327680xf32, #tpu.memory_space<hbm>>, %arg10: memref<20480xf32, #tpu.memory_space<vmem>>, %arg11: memref<2048xi32, #tpu.memory_space<vmem>>, %arg12: memref<2048xi32, #tpu.memory_space<vmem>>, %arg13: memref<2048xf32, #tpu.memory_space<vmem>>) attributes {dimension_semantics = [#tpu.dimension_semantics<core_parallel>, #tpu.dimension_semantics<subcore_parallel>], iteration_bounds = array<i64: 2, 16>, scalar_prefetch = 0 : i64, scratch_operands = 4 : i64, tpu.core_type = #tpu.core_type<sc_vector_subcore>, window_params = [{transform_indices = #map}, {transform_indices = #map}, {transform_indices = #map}, {transform_indices = #map}, {transform_indices = #map}, {transform_indices = #map}, {transform_indices = #map}, {transform_indices = #map}]} {
    %mul3A = arith.constant 20480 : i32
    %mul3A_0 = arith.muli %arg1, %mul3A : i32
    %eq3A = arith.constant 0 : i32
    %eq3A_1 = arith.cmpi eq, %arg0, %eq3A : i32
    %convert_element_type3A = arith.extui %eq3A_1 : i1 to i32
    %cond3A = arith.constant 0 : i32
    %cond3A_2 = arith.cmpi ne, %convert_element_type3A, %cond3A : i32
    scf.if %cond3A_2 {
      "tpu.region"() ({
        %run_scoped3A = tpu.sem_alloc : memref<!tpu.dma_semaphore, #tpu.memory_space<semaphore_mem>>
        tpu.enqueue_dma source(%arg2 : memref<20480xf32, #tpu.memory_space<hbm>>) target(%arg10 : memref<20480xf32, #tpu.memory_space<vmem>>) target_semaphore(%run_scoped3A : memref<!tpu.dma_semaphore, #tpu.memory_space<semaphore_mem>>)
        tpu.wait_dma2 semaphore(%run_scoped3A : memref<!tpu.dma_semaphore, #tpu.memory_space<semaphore_mem>>) src(%arg2 : memref<20480xf32, #tpu.memory_space<hbm>>) dst(%arg10 : memref<20480xf32, #tpu.memory_space<vmem>>)
        tpu.yield
      }) : () -> ()
      %scan3A = arith.constant 0 : i32
      %scan3A_8 = arith.constant 0 : i32
      %scan3A_9 = arith.constant 10 : i32
      %scan3A_10 = arith.addi %scan3A_8, %scan3A_9 : i32
      %scan3A_11 = arith.constant 1 : i32
      scf.for %scan3A_13 = %scan3A_8 to %scan3A_10 step %scan3A_11  : i32 {
        %mul3A_14 = arith.constant 2048 : i32
        %mul3A_15 = arith.muli %scan3A_13, %mul3A_14 : i32
        %add3A = arith.addi %mul3A_0, %mul3A_15 : i32
        "tpu.region"() ({
          %run_scoped3A = tpu.sem_alloc : memref<!tpu.dma_semaphore, #tpu.memory_space<semaphore_mem>>
          %dma_start3A = tpu.memref_slice %arg4[%add3A] : memref<327680xi32, #tpu.memory_space<hbm>> -> memref<2048xi32, #tpu.memory_space<hbm>>
          %dma_start3A_22 = tpu.memref_slice %arg4[%add3A] : memref<327680xi32, #tpu.memory_space<hbm>> -> memref<2048xi32, #tpu.memory_space<hbm>>
          tpu.enqueue_dma source(%dma_start3A_22 : memref<2048xi32, #tpu.memory_space<hbm>>) target(%arg11 : memref<2048xi32, #tpu.memory_space<vmem>>) target_semaphore(%run_scoped3A : memref<!tpu.dma_semaphore, #tpu.memory_space<semaphore_mem>>)
          %dma_wait3A = tpu.memref_slice %arg4[%add3A] : memref<327680xi32, #tpu.memory_space<hbm>> -> memref<2048xi32, #tpu.memory_space<hbm>>
          %dma_wait3A_23 = tpu.memref_slice %arg4[%add3A] : memref<327680xi32, #tpu.memory_space<hbm>> -> memref<2048xi32, #tpu.memory_space<hbm>>
          tpu.wait_dma2 semaphore(%run_scoped3A : memref<!tpu.dma_semaphore, #tpu.memory_space<semaphore_mem>>) src(%dma_wait3A_23 : memref<2048xi32, #tpu.memory_space<hbm>>) dst(%arg11 : memref<2048xi32, #tpu.memory_space<vmem>>)
          tpu.yield
        }) : () -> ()
        "tpu.region"() ({
          %run_scoped3A = tpu.sem_alloc : memref<!tpu.dma_semaphore, #tpu.memory_space<semaphore_mem>>
          %dma_start3A = tpu.memref_slice %arg5[%add3A] : memref<327680xi32, #tpu.memory_space<hbm>> -> memref<2048xi32, #tpu.memory_space<hbm>>
          %dma_start3A_22 = tpu.memref_slice %arg5[%add3A] : memref<327680xi32, #tpu.memory_space<hbm>> -> memref<2048xi32, #tpu.memory_space<hbm>>
          tpu.enqueue_dma source(%dma_start3A_22 : memref<2048xi32, #tpu.memory_space<hbm>>) target(%arg12 : memref<2048xi32, #tpu.memory_space<vmem>>) target_semaphore(%run_scoped3A : memref<!tpu.dma_semaphore, #tpu.memory_space<semaphore_mem>>)
          %dma_wait3A = tpu.memref_slice %arg5[%add3A] : memref<327680xi32, #tpu.memory_space<hbm>> -> memref<2048xi32, #tpu.memory_space<hbm>>
          %dma_wait3A_23 = tpu.memref_slice %arg5[%add3A] : memref<327680xi32, #tpu.memory_space<hbm>> -> memref<2048xi32, #tpu.memory_space<hbm>>
          tpu.wait_dma2 semaphore(%run_scoped3A : memref<!tpu.dma_semaphore, #tpu.memory_space<semaphore_mem>>) src(%dma_wait3A_23 : memref<2048xi32, #tpu.memory_space<hbm>>) dst(%arg12 : memref<2048xi32, #tpu.memory_space<vmem>>)
          tpu.yield
        }) : () -> ()
        %scan3A_16 = arith.constant 0 : i32
        %scan3A_17 = arith.constant 0 : i32
        %scan3A_18 = arith.constant 128 : i32
        %scan3A_19 = arith.addi %scan3A_17, %scan3A_18 : i32
        %scan3A_20 = arith.constant 1 : i32
        scf.for %scan3A_22 = %scan3A_17 to %scan3A_19 step %scan3A_20  : i32 {
          %mul3A_23 = arith.constant 16 : i32
          %mul3A_24 = arith.muli %scan3A_22, %mul3A_23 : i32
          %multiple_of3A = tpu.assume_multiple %mul3A_24, 16 : i32
          %get3A = arith.index_cast %multiple_of3A : i32 to index
          %get3A_25 = tpu.vector_load %arg11[%get3A] {strides = array<i32>} : memref<2048xi32, #tpu.memory_space<vmem>>, vector<16xi32>,
          %get3A_26 = arith.index_cast %multiple_of3A : i32 to index
          %get3A_27 = tpu.vector_load %arg12[%get3A_26] {strides = array<i32>} : memref<2048xi32, #tpu.memory_space<vmem>>, vector<16xi32>,
          %add3A_28 = arith.constant 10240 : i32
          %add3A_29 = vector.broadcast %add3A_28 : i32 to vector<16xi32>
          %add3A_30 = arith.addi %get3A_27, %add3A_29 : vector<16xi32>
          %gather3A = tpu.vector_load_idx %arg10[%get3A_25] : memref<20480xf32, #tpu.memory_space<vmem>>[vector<16xi32>], vector<16xf32>,
          %gather3A_31 = tpu.vector_load_idx %arg10[%add3A_30] : memref<20480xf32, #tpu.memory_space<vmem>>[vector<16xi32>], vector<16xf32>,
          %add3A_32 = arith.addf %gather3A, %gather3A_31 : vector<16xf32>
          %swap3A = arith.index_cast %multiple_of3A : i32 to index
          %swap3A_33 = tpu.vector_load %arg13[%swap3A] {strides = array<i32>} : memref<2048xf32, #tpu.memory_space<vmem>>, vector<16xf32>,
          tpu.vector_store %arg13[%swap3A], %add3A_32 {strides = array<i32>} : memref<2048xf32, #tpu.memory_space<vmem>>, vector<16xf32>,
        }
        %scan3A_21 = arith.constant 128 : i32
        "tpu.region"() ({
          %run_scoped3A = tpu.sem_alloc : memref<!tpu.dma_semaphore, #tpu.memory_space<semaphore_mem>>
          %dma_start3A = tpu.memref_slice %arg8[%add3A] : memref<327680xf32, #tpu.memory_space<hbm>> -> memref<2048xf32, #tpu.memory_space<hbm>>
          %dma_start3A_22 = tpu.memref_slice %arg8[%add3A] : memref<327680xf32, #tpu.memory_space<hbm>> -> memref<2048xf32, #tpu.memory_space<hbm>>
          tpu.enqueue_dma source(%arg13 : memref<2048xf32, #tpu.memory_space<vmem>>) target(%dma_start3A_22 : memref<2048xf32, #tpu.memory_space<hbm>>) target_semaphore(%run_scoped3A : memref<!tpu.dma_semaphore, #tpu.memory_space<semaphore_mem>>)
          %dma_wait3A = tpu.memref_slice %arg8[%add3A] : memref<327680xf32, #tpu.memory_space<hbm>> -> memref<2048xf32, #tpu.memory_space<hbm>>
          %dma_wait3A_23 = tpu.memref_slice %arg8[%add3A] : memref<327680xf32, #tpu.memory_space<hbm>> -> memref<2048xf32, #tpu.memory_space<hbm>>
          tpu.wait_dma2 semaphore(%run_scoped3A : memref<!tpu.dma_semaphore, #tpu.memory_space<semaphore_mem>>) src(%arg13 : memref<2048xf32, #tpu.memory_space<vmem>>) dst(%dma_wait3A_23 : memref<2048xf32, #tpu.memory_space<hbm>>)
          tpu.yield
        }) : () -> ()
      }
      %scan3A_12 = arith.constant 10 : i32
    } else {
    }
    %eq3A_3 = arith.constant 1 : i32
    %eq3A_4 = arith.cmpi eq, %arg0, %eq3A_3 : i32
    %convert_element_type3A_5 = arith.extui %eq3A_4 : i1 to i32
    %cond3A_6 = arith.constant 0 : i32
    %cond3A_7 = arith.cmpi ne, %convert_element_type3A_5, %cond3A_6 : i32
    scf.if %cond3A_7 {
      "tpu.region"() ({
        %run_scoped3A = tpu.sem_alloc : memref<!tpu.dma_semaphore, #tpu.memory_space<semaphore_mem>>
        tpu.enqueue_dma source(%arg3 : memref<20480xf32, #tpu.memory_space<hbm>>) target(%arg10 : memref<20480xf32, #tpu.memory_space<vmem>>) target_semaphore(%run_scoped3A : memref<!tpu.dma_semaphore, #tpu.memory_space<semaphore_mem>>)
        tpu.wait_dma2 semaphore(%run_scoped3A : memref<!tpu.dma_semaphore, #tpu.memory_space<semaphore_mem>>) src(%arg3 : memref<20480xf32, #tpu.memory_space<hbm>>) dst(%arg10 : memref<20480xf32, #tpu.memory_space<vmem>>)
        tpu.yield
      }) : () -> ()
      %scan3A = arith.constant 0 : i32
      %scan3A_8 = arith.constant 0 : i32
      %scan3A_9 = arith.constant 10 : i32
      %scan3A_10 = arith.addi %scan3A_8, %scan3A_9 : i32
      %scan3A_11 = arith.constant 1 : i32
      scf.for %scan3A_13 = %scan3A_8 to %scan3A_10 step %scan3A_11  : i32 {
        %mul3A_14 = arith.constant 2048 : i32
        %mul3A_15 = arith.muli %scan3A_13, %mul3A_14 : i32
        %add3A = arith.addi %mul3A_0, %mul3A_15 : i32
        "tpu.region"() ({
          %run_scoped3A = tpu.sem_alloc : memref<!tpu.dma_semaphore, #tpu.memory_space<semaphore_mem>>
          %dma_start3A = tpu.memref_slice %arg6[%add3A] : memref<327680xi32, #tpu.memory_space<hbm>> -> memref<2048xi32, #tpu.memory_space<hbm>>
          %dma_start3A_22 = tpu.memref_slice %arg6[%add3A] : memref<327680xi32, #tpu.memory_space<hbm>> -> memref<2048xi32, #tpu.memory_space<hbm>>
          tpu.enqueue_dma source(%dma_start3A_22 : memref<2048xi32, #tpu.memory_space<hbm>>) target(%arg11 : memref<2048xi32, #tpu.memory_space<vmem>>) target_semaphore(%run_scoped3A : memref<!tpu.dma_semaphore, #tpu.memory_space<semaphore_mem>>)
          %dma_wait3A = tpu.memref_slice %arg6[%add3A] : memref<327680xi32, #tpu.memory_space<hbm>> -> memref<2048xi32, #tpu.memory_space<hbm>>
          %dma_wait3A_23 = tpu.memref_slice %arg6[%add3A] : memref<327680xi32, #tpu.memory_space<hbm>> -> memref<2048xi32, #tpu.memory_space<hbm>>
          tpu.wait_dma2 semaphore(%run_scoped3A : memref<!tpu.dma_semaphore, #tpu.memory_space<semaphore_mem>>) src(%dma_wait3A_23 : memref<2048xi32, #tpu.memory_space<hbm>>) dst(%arg11 : memref<2048xi32, #tpu.memory_space<vmem>>)
          tpu.yield
        }) : () -> ()
        "tpu.region"() ({
          %run_scoped3A = tpu.sem_alloc : memref<!tpu.dma_semaphore, #tpu.memory_space<semaphore_mem>>
          %dma_start3A = tpu.memref_slice %arg7[%add3A] : memref<327680xi32, #tpu.memory_space<hbm>> -> memref<2048xi32, #tpu.memory_space<hbm>>
          %dma_start3A_22 = tpu.memref_slice %arg7[%add3A] : memref<327680xi32, #tpu.memory_space<hbm>> -> memref<2048xi32, #tpu.memory_space<hbm>>
          tpu.enqueue_dma source(%dma_start3A_22 : memref<2048xi32, #tpu.memory_space<hbm>>) target(%arg12 : memref<2048xi32, #tpu.memory_space<vmem>>) target_semaphore(%run_scoped3A : memref<!tpu.dma_semaphore, #tpu.memory_space<semaphore_mem>>)
          %dma_wait3A = tpu.memref_slice %arg7[%add3A] : memref<327680xi32, #tpu.memory_space<hbm>> -> memref<2048xi32, #tpu.memory_space<hbm>>
          %dma_wait3A_23 = tpu.memref_slice %arg7[%add3A] : memref<327680xi32, #tpu.memory_space<hbm>> -> memref<2048xi32, #tpu.memory_space<hbm>>
          tpu.wait_dma2 semaphore(%run_scoped3A : memref<!tpu.dma_semaphore, #tpu.memory_space<semaphore_mem>>) src(%dma_wait3A_23 : memref<2048xi32, #tpu.memory_space<hbm>>) dst(%arg12 : memref<2048xi32, #tpu.memory_space<vmem>>)
          tpu.yield
        }) : () -> ()
        %scan3A_16 = arith.constant 0 : i32
        %scan3A_17 = arith.constant 0 : i32
        %scan3A_18 = arith.constant 128 : i32
        %scan3A_19 = arith.addi %scan3A_17, %scan3A_18 : i32
        %scan3A_20 = arith.constant 1 : i32
        scf.for %scan3A_22 = %scan3A_17 to %scan3A_19 step %scan3A_20  : i32 {
          %mul3A_23 = arith.constant 16 : i32
          %mul3A_24 = arith.muli %scan3A_22, %mul3A_23 : i32
          %multiple_of3A = tpu.assume_multiple %mul3A_24, 16 : i32
          %get3A = arith.index_cast %multiple_of3A : i32 to index
          %get3A_25 = tpu.vector_load %arg11[%get3A] {strides = array<i32>} : memref<2048xi32, #tpu.memory_space<vmem>>, vector<16xi32>,
          %get3A_26 = arith.index_cast %multiple_of3A : i32 to index
          %get3A_27 = tpu.vector_load %arg12[%get3A_26] {strides = array<i32>} : memref<2048xi32, #tpu.memory_space<vmem>>, vector<16xi32>,
          %add3A_28 = arith.constant 10240 : i32
          %add3A_29 = vector.broadcast %add3A_28 : i32 to vector<16xi32>
          %add3A_30 = arith.addi %get3A_27, %add3A_29 : vector<16xi32>
          %gather3A = tpu.vector_load_idx %arg10[%get3A_25] : memref<20480xf32, #tpu.memory_space<vmem>>[vector<16xi32>], vector<16xf32>,
          %gather3A_31 = tpu.vector_load_idx %arg10[%add3A_30] : memref<20480xf32, #tpu.memory_space<vmem>>[vector<16xi32>], vector<16xf32>,
          %add3A_32 = arith.addf %gather3A, %gather3A_31 : vector<16xf32>
          %swap3A = arith.index_cast %multiple_of3A : i32 to index
          %swap3A_33 = tpu.vector_load %arg13[%swap3A] {strides = array<i32>} : memref<2048xf32, #tpu.memory_space<vmem>>, vector<16xf32>,
          tpu.vector_store %arg13[%swap3A], %add3A_32 {strides = array<i32>} : memref<2048xf32, #tpu.memory_space<vmem>>, vector<16xf32>,
        }
        %scan3A_21 = arith.constant 128 : i32
        "tpu.region"() ({
          %run_scoped3A = tpu.sem_alloc : memref<!tpu.dma_semaphore, #tpu.memory_space<semaphore_mem>>
          %dma_start3A = tpu.memref_slice %arg9[%add3A] : memref<327680xf32, #tpu.memory_space<hbm>> -> memref<2048xf32, #tpu.memory_space<hbm>>
          %dma_start3A_22 = tpu.memref_slice %arg9[%add3A] : memref<327680xf32, #tpu.memory_space<hbm>> -> memref<2048xf32, #tpu.memory_space<hbm>>
          tpu.enqueue_dma source(%arg13 : memref<2048xf32, #tpu.memory_space<vmem>>) target(%dma_start3A_22 : memref<2048xf32, #tpu.memory_space<hbm>>) target_semaphore(%run_scoped3A : memref<!tpu.dma_semaphore, #tpu.memory_space<semaphore_mem>>)
          %dma_wait3A = tpu.memref_slice %arg9[%add3A] : memref<327680xf32, #tpu.memory_space<hbm>> -> memref<2048xf32, #tpu.memory_space<hbm>>
          %dma_wait3A_23 = tpu.memref_slice %arg9[%add3A] : memref<327680xf32, #tpu.memory_space<hbm>> -> memref<2048xf32, #tpu.memory_space<hbm>>
          tpu.wait_dma2 semaphore(%run_scoped3A : memref<!tpu.dma_semaphore, #tpu.memory_space<semaphore_mem>>) src(%arg13 : memref<2048xf32, #tpu.memory_space<vmem>>) dst(%dma_wait3A_23 : memref<2048xf32, #tpu.memory_space<hbm>>)
          tpu.yield
        }) : () -> ()
      }
      %scan3A_12 = arith.constant 10 : i32
    } else {
    }
    return
  }
}

#map = affine_map<(d0, d1) -> (0, 0)>
module attributes {stable_mosaic.version = 14 : i64} {
  func.func @k(%arg0: i32, %arg1: i32, %arg2: memref<10240x128xf32, #tpu.memory_space<hbm>>, %arg3: memref<10240x128xf32, #tpu.memory_space<hbm>>, %arg4: memref<5120x64xi32, #tpu.memory_space<hbm>>, %arg5: memref<5120x64xi32, #tpu.memory_space<hbm>>, %arg6: memref<5120x64xi32, #tpu.memory_space<hbm>>, %arg7: memref<5120x64xi32, #tpu.memory_space<hbm>>, %arg8: memref<10240x128xf32, #tpu.memory_space<hbm>>, %arg9: memref<10240x128xf32, #tpu.memory_space<hbm>>, %arg10: memref<10240x128xf32, #tpu.memory_space<vmem_shared>>, %arg11: memref<64x64xi32, #tpu.memory_space<vmem>>, %arg12: memref<64x64xi32, #tpu.memory_space<vmem>>, %arg13: memref<64x128xf32, #tpu.memory_space<vmem>>, %arg14: memref<64x128xf32, #tpu.memory_space<vmem>>, %arg15: memref<64x128xf32, #tpu.memory_space<vmem>>, %arg16: memref<64x128xf32, #tpu.memory_space<vmem>>, %arg17: memref<!tpu.dma_semaphore, #tpu.memory_space<semaphore_mem>>, %arg18: memref<!tpu.dma_semaphore, #tpu.memory_space<semaphore_mem>>, %arg19: memref<!tpu.dma_semaphore, #tpu.memory_space<semaphore_mem>>, %arg20: memref<!tpu.dma_semaphore, #tpu.memory_space<semaphore_mem>>) attributes {dimension_semantics = [#tpu.dimension_semantics<core_parallel>, #tpu.dimension_semantics<subcore_parallel>], iteration_bounds = array<i64: 2, 16>, scalar_prefetch = 0 : i64, scratch_operands = 11 : i64, tpu.core_type = #tpu.core_type<sc_vector_subcore>, window_params = [{transform_indices = #map}, {transform_indices = #map}, {transform_indices = #map}, {transform_indices = #map}, {transform_indices = #map}, {transform_indices = #map}, {transform_indices = #map}, {transform_indices = #map}]} {
    %scan3A = arith.constant 0 : i32
    %scan3A_0 = arith.constant 0 : i32
    %scan3A_1 = arith.constant 512 : i32
    %scan3A_2 = arith.addi %scan3A_0, %scan3A_1 : i32
    %scan3A_3 = arith.constant 1 : i32
    scf.for %scan3A_32 = %scan3A_0 to %scan3A_2 step %scan3A_3  : i32 {
      %jit3A = arith.constant 8 : i32
      %div3A = arith.divsi %scan3A_32, %jit3A : i32
      %sign3A = arith.constant 0 : i32
      %sign3A_33 = arith.cmpi sgt, %scan3A_32, %sign3A : i32
      %sign3A_34 = arith.extui %sign3A_33 : i1 to i32
      %sign3A_35 = arith.constant 0 : i32
      %sign3A_36 = arith.cmpi slt, %scan3A_32, %sign3A_35 : i32
      %sign3A_37 = arith.extui %sign3A_36 : i1 to i32
      %sign3A_38 = arith.subi %sign3A_34, %sign3A_37 : i32
      %sign3A_39 = arith.constant 0 : i32
      %sign3A_40 = arith.cmpi sgt, %jit3A, %sign3A_39 : i32
      %sign3A_41 = arith.extui %sign3A_40 : i1 to i32
      %sign3A_42 = arith.constant 0 : i32
      %sign3A_43 = arith.cmpi slt, %jit3A, %sign3A_42 : i32
      %sign3A_44 = arith.extui %sign3A_43 : i1 to i32
      %sign3A_45 = arith.subi %sign3A_41, %sign3A_44 : i32
      %ne3A = arith.cmpi ne, %sign3A_38, %sign3A_45 : i32
      %rem3A = arith.remsi %scan3A_32, %jit3A : i32
      %ne3A_46 = arith.constant 0 : i32
      %ne3A_47 = arith.cmpi ne, %rem3A, %ne3A_46 : i32
      %and3A = arith.andi %ne3A, %ne3A_47 : i1
      %sub3A = arith.constant 1 : i32
      %sub3A_48 = arith.subi %div3A, %sub3A : i32
      %select_n3A = arith.select %and3A, %sub3A_48, %div3A : i32
      %jit3A_49 = arith.constant 8 : i32
      %eq3A_50 = arith.constant 0 : i32
      %eq3A_51 = arith.cmpi eq, %jit3A_49, %eq3A_50 : i32
      %jit3A_52 = arith.constant 1 : i32
      %select_n3A_53 = arith.select %eq3A_51, %jit3A_52, %jit3A_49 : i32
      %rem3A_54 = arith.remsi %scan3A_32, %select_n3A_53 : i32
      %ne3A_55 = arith.constant 0 : i32
      %ne3A_56 = arith.cmpi ne, %rem3A_54, %ne3A_55 : i32
      %lt3A = arith.constant 0 : i32
      %lt3A_57 = arith.cmpi slt, %rem3A_54, %lt3A : i32
      %lt3A_58 = arith.constant 0 : i32
      %lt3A_59 = arith.cmpi slt, %select_n3A_53, %lt3A_58 : i32
      %ne3A_60 = arith.xori %lt3A_57, %lt3A_59 : i1
      %and3A_61 = arith.andi %ne3A_60, %ne3A_56 : i1
      %add3A = arith.addi %rem3A_54, %select_n3A_53 : i32
      %select_n3A_62 = arith.select %and3A_61, %add3A, %rem3A_54 : i32
      %mul3A_63 = arith.constant 16 : i32
      %mul3A_64 = arith.muli %select_n3A_62, %mul3A_63 : i32
      %broadcast_in_dim3A = arith.constant 0.000000e+00 : f32
      %broadcast_in_dim3A_65 = vector.broadcast %broadcast_in_dim3A : f32 to vector<16xf32>
      %swap3A = arith.index_cast %select_n3A : i32 to index
      %swap3A_66 = arith.index_cast %mul3A_64 : i32 to index
      %swap3A_67 = tpu.vector_load %arg13[%swap3A, %swap3A_66] {strides = array<i32>} : memref<64x128xf32, #tpu.memory_space<vmem>>, vector<1x16xf32>,
      %swap3A_68 = vector.shape_cast %swap3A_67 : vector<1x16xf32> to vector<16xf32>
      %swap3A_69 = vector.shape_cast %broadcast_in_dim3A_65 : vector<16xf32> to vector<1x16xf32>
      tpu.vector_store %arg13[%swap3A, %swap3A_66], %swap3A_69 {strides = array<i32>} : memref<64x128xf32, #tpu.memory_space<vmem>>, vector<1x16xf32>,
    }
    %scan3A_4 = arith.constant 512 : i32
    %mul3A = arith.constant 640 : i32
    %mul3A_5 = arith.muli %arg1, %mul3A : i32
    %scan3A_6 = arith.constant 0 : i32
    %scan3A_7 = arith.constant 0 : i32
    %scan3A_8 = arith.constant 10 : i32
    %scan3A_9 = arith.addi %scan3A_7, %scan3A_8 : i32
    %scan3A_10 = arith.constant 1 : i32
    scf.for %scan3A_32 = %scan3A_7 to %scan3A_9 step %scan3A_10  : i32 {
      %mul3A_33 = arith.constant 64 : i32
      %mul3A_34 = arith.muli %scan3A_32, %mul3A_33 : i32
      %add3A = arith.addi %mul3A_5, %mul3A_34 : i32
      "tpu.region"() ({
        %run_scoped3A = tpu.sem_alloc : memref<!tpu.dma_semaphore, #tpu.memory_space<semaphore_mem>>
        %dma_start3A = arith.constant 0 : i32
        %dma_start3A_35 = tpu.memref_slice %arg10[%add3A, %dma_start3A] : memref<10240x128xf32, #tpu.memory_space<vmem_shared>> -> memref<64x128xf32, #tpu.memory_space<vmem_shared>>
        %dma_start3A_36 = arith.constant 0 : i32
        %dma_start3A_37 = tpu.memref_slice %arg10[%add3A, %dma_start3A_36] : memref<10240x128xf32, #tpu.memory_space<vmem_shared>> -> memref<64x128xf32, #tpu.memory_space<vmem_shared>>
        tpu.enqueue_dma source(%arg13 : memref<64x128xf32, #tpu.memory_space<vmem>>) target(%dma_start3A_37 : memref<64x128xf32, #tpu.memory_space<vmem_shared>>) target_semaphore(%run_scoped3A : memref<!tpu.dma_semaphore, #tpu.memory_space<semaphore_mem>>)
        %dma_wait3A = arith.constant 0 : i32
        %dma_wait3A_38 = tpu.memref_slice %arg10[%add3A, %dma_wait3A] : memref<10240x128xf32, #tpu.memory_space<vmem_shared>> -> memref<64x128xf32, #tpu.memory_space<vmem_shared>>
        %dma_wait3A_39 = arith.constant 0 : i32
        %dma_wait3A_40 = tpu.memref_slice %arg10[%add3A, %dma_wait3A_39] : memref<10240x128xf32, #tpu.memory_space<vmem_shared>> -> memref<64x128xf32, #tpu.memory_space<vmem_shared>>
        tpu.wait_dma2 semaphore(%run_scoped3A : memref<!tpu.dma_semaphore, #tpu.memory_space<semaphore_mem>>) src(%arg13 : memref<64x128xf32, #tpu.memory_space<vmem>>) dst(%dma_wait3A_40 : memref<64x128xf32, #tpu.memory_space<vmem_shared>>)
        tpu.yield
      }) : () -> ()
    }
    %scan3A_11 = arith.constant 10 : i32
    %barrier3A = arith.constant 0 : index
    tpu.barrier barrier_id(%barrier3A)
    %mul3A_12 = arith.constant 320 : i32
    %mul3A_13 = arith.muli %arg1, %mul3A_12 : i32
    %eq3A = arith.constant 0 : i32
    %eq3A_14 = arith.cmpi eq, %arg0, %eq3A : i32
    %convert_element_type3A = arith.extui %eq3A_14 : i1 to i32
    %cond3A = arith.constant 0 : i32
    %cond3A_15 = arith.cmpi ne, %convert_element_type3A, %cond3A : i32
    scf.if %cond3A_15 {
      %scan3A_32 = arith.constant 0 : i32
      %scan3A_33 = arith.constant 0 : i32
      %scan3A_34 = arith.constant 5 : i32
      %scan3A_35 = arith.addi %scan3A_33, %scan3A_34 : i32
      %scan3A_36 = arith.constant 1 : i32
      scf.for %scan3A_38 = %scan3A_33 to %scan3A_35 step %scan3A_36  : i32 {
        %mul3A_39 = arith.constant 64 : i32
        %mul3A_40 = arith.muli %scan3A_38, %mul3A_39 : i32
        %add3A = arith.addi %mul3A_13, %mul3A_40 : i32
        "tpu.region"() ({
          %run_scoped3A = tpu.sem_alloc : memref<!tpu.dma_semaphore, #tpu.memory_space<semaphore_mem>>
          %dma_start3A_67 = arith.constant 0 : i32
          %dma_start3A_68 = tpu.memref_slice %arg4[%add3A, %dma_start3A_67] : memref<5120x64xi32, #tpu.memory_space<hbm>> -> memref<64x64xi32, #tpu.memory_space<hbm>>
          %dma_start3A_69 = arith.constant 0 : i32
          %dma_start3A_70 = tpu.memref_slice %arg4[%add3A, %dma_start3A_69] : memref<5120x64xi32, #tpu.memory_space<hbm>> -> memref<64x64xi32, #tpu.memory_space<hbm>>
          tpu.enqueue_dma source(%dma_start3A_70 : memref<64x64xi32, #tpu.memory_space<hbm>>) target(%arg11 : memref<64x64xi32, #tpu.memory_space<vmem>>) target_semaphore(%run_scoped3A : memref<!tpu.dma_semaphore, #tpu.memory_space<semaphore_mem>>)
          %dma_wait3A = arith.constant 0 : i32
          %dma_wait3A_71 = tpu.memref_slice %arg4[%add3A, %dma_wait3A] : memref<5120x64xi32, #tpu.memory_space<hbm>> -> memref<64x64xi32, #tpu.memory_space<hbm>>
          %dma_wait3A_72 = arith.constant 0 : i32
          %dma_wait3A_73 = tpu.memref_slice %arg4[%add3A, %dma_wait3A_72] : memref<5120x64xi32, #tpu.memory_space<hbm>> -> memref<64x64xi32, #tpu.memory_space<hbm>>
          tpu.wait_dma2 semaphore(%run_scoped3A : memref<!tpu.dma_semaphore, #tpu.memory_space<semaphore_mem>>) src(%dma_wait3A_73 : memref<64x64xi32, #tpu.memory_space<hbm>>) dst(%arg11 : memref<64x64xi32, #tpu.memory_space<vmem>>)
          tpu.yield
        }) : () -> ()
        "tpu.region"() ({
          %run_scoped3A = tpu.sem_alloc : memref<!tpu.dma_semaphore, #tpu.memory_space<semaphore_mem>>
          %dma_start3A_67 = arith.constant 0 : i32
          %dma_start3A_68 = tpu.memref_slice %arg5[%add3A, %dma_start3A_67] : memref<5120x64xi32, #tpu.memory_space<hbm>> -> memref<64x64xi32, #tpu.memory_space<hbm>>
          %dma_start3A_69 = arith.constant 0 : i32
          %dma_start3A_70 = tpu.memref_slice %arg5[%add3A, %dma_start3A_69] : memref<5120x64xi32, #tpu.memory_space<hbm>> -> memref<64x64xi32, #tpu.memory_space<hbm>>
          tpu.enqueue_dma source(%dma_start3A_70 : memref<64x64xi32, #tpu.memory_space<hbm>>) target(%arg12 : memref<64x64xi32, #tpu.memory_space<vmem>>) target_semaphore(%run_scoped3A : memref<!tpu.dma_semaphore, #tpu.memory_space<semaphore_mem>>)
          %dma_wait3A = arith.constant 0 : i32
          %dma_wait3A_71 = tpu.memref_slice %arg5[%add3A, %dma_wait3A] : memref<5120x64xi32, #tpu.memory_space<hbm>> -> memref<64x64xi32, #tpu.memory_space<hbm>>
          %dma_wait3A_72 = arith.constant 0 : i32
          %dma_wait3A_73 = tpu.memref_slice %arg5[%add3A, %dma_wait3A_72] : memref<5120x64xi32, #tpu.memory_space<hbm>> -> memref<64x64xi32, #tpu.memory_space<hbm>>
          tpu.wait_dma2 semaphore(%run_scoped3A : memref<!tpu.dma_semaphore, #tpu.memory_space<semaphore_mem>>) src(%dma_wait3A_73 : memref<64x64xi32, #tpu.memory_space<hbm>>) dst(%arg12 : memref<64x64xi32, #tpu.memory_space<vmem>>)
          tpu.yield
        }) : () -> ()
        %dma_start3A = arith.constant 0 : i32
        %dma_start3A_41 = arith.constant 0 : i32
        %dma_start3A_42 = tpu.memref_slice %arg11[%dma_start3A, %dma_start3A_41] : memref<64x64xi32, #tpu.memory_space<vmem>> -> memref<1x64xi32, #tpu.memory_space<vmem>>
        %dma_start3A_43 = tpu.memref_squeeze %dma_start3A_42 : memref<1x64xi32, #tpu.memory_space<vmem>> -> memref<64xi32, #tpu.memory_space<vmem>>
        %dma_start3A_44 = arith.constant 0 : i32
        %dma_start3A_45 = arith.constant 0 : i32
        %dma_start3A_46 = tpu.memref_slice %arg2[%dma_start3A_44, %dma_start3A_45] : memref<10240x128xf32, #tpu.memory_space<hbm>> -> memref<10240x128xf32, #tpu.memory_space<hbm>>
        tpu.enqueue_indirect_dma source(%dma_start3A_46 : memref<10240x128xf32, #tpu.memory_space<hbm>>) target(%arg13 : memref<64x128xf32, #tpu.memory_space<vmem>>) offsets(%dma_start3A_43 : memref<64xi32, #tpu.memory_space<vmem>>) semaphore(%arg17 : memref<!tpu.dma_semaphore, #tpu.memory_space<semaphore_mem>>)
        %dma_start3A_47 = arith.constant 1 : i32
        %dma_start3A_48 = arith.constant 0 : i32
        %dma_start3A_49 = tpu.memref_slice %arg11[%dma_start3A_47, %dma_start3A_48] : memref<64x64xi32, #tpu.memory_space<vmem>> -> memref<1x64xi32, #tpu.memory_space<vmem>>
        %dma_start3A_50 = tpu.memref_squeeze %dma_start3A_49 : memref<1x64xi32, #tpu.memory_space<vmem>> -> memref<64xi32, #tpu.memory_space<vmem>>
        %dma_start3A_51 = arith.constant 0 : i32
        %dma_start3A_52 = arith.constant 0 : i32
        %dma_start3A_53 = tpu.memref_slice %arg2[%dma_start3A_51, %dma_start3A_52] : memref<10240x128xf32, #tpu.memory_space<hbm>> -> memref<10240x128xf32, #tpu.memory_space<hbm>>
        tpu.enqueue_indirect_dma source(%dma_start3A_53 : memref<10240x128xf32, #tpu.memory_space<hbm>>) target(%arg14 : memref<64x128xf32, #tpu.memory_space<vmem>>) offsets(%dma_start3A_50 : memref<64xi32, #tpu.memory_space<vmem>>) semaphore(%arg18 : memref<!tpu.dma_semaphore, #tpu.memory_space<semaphore_mem>>)
        %dma_start3A_54 = arith.constant 2 : i32
        %dma_start3A_55 = arith.constant 0 : i32
        %dma_start3A_56 = tpu.memref_slice %arg11[%dma_start3A_54, %dma_start3A_55] : memref<64x64xi32, #tpu.memory_space<vmem>> -> memref<1x64xi32, #tpu.memory_space<vmem>>
        %dma_start3A_57 = tpu.memref_squeeze %dma_start3A_56 : memref<1x64xi32, #tpu.memory_space<vmem>> -> memref<64xi32, #tpu.memory_space<vmem>>
        %dma_start3A_58 = arith.constant 0 : i32
        %dma_start3A_59 = arith.constant 0 : i32
        %dma_start3A_60 = tpu.memref_slice %arg2[%dma_start3A_58, %dma_start3A_59] : memref<10240x128xf32, #tpu.memory_space<hbm>> -> memref<10240x128xf32, #tpu.memory_space<hbm>>
        tpu.enqueue_indirect_dma source(%dma_start3A_60 : memref<10240x128xf32, #tpu.memory_space<hbm>>) target(%arg15 : memref<64x128xf32, #tpu.memory_space<vmem>>) offsets(%dma_start3A_57 : memref<64xi32, #tpu.memory_space<vmem>>) semaphore(%arg19 : memref<!tpu.dma_semaphore, #tpu.memory_space<semaphore_mem>>)
        %scan3A_61 = arith.constant 0 : i32
        %scan3A_62 = arith.constant 0 : i32
        %scan3A_63 = arith.constant 16 : i32
        %scan3A_64 = arith.addi %scan3A_62, %scan3A_63 : i32
        %scan3A_65 = arith.constant 1 : i32
        scf.for %scan3A_67 = %scan3A_62 to %scan3A_64 step %scan3A_65  : i32 {
          %mul3A_68 = arith.constant 4 : i32
          %mul3A_69 = arith.muli %scan3A_67, %mul3A_68 : i32
          %add3A_70 = arith.constant 0 : i32
          %add3A_71 = arith.addi %mul3A_69, %add3A_70 : i32
          %dma_wait3A = arith.constant 0 : i32
          %dma_wait3A_72 = tpu.memref_slice %arg11[%add3A_71, %dma_wait3A] : memref<64x64xi32, #tpu.memory_space<vmem>> -> memref<1x64xi32, #tpu.memory_space<vmem>>
          %dma_wait3A_73 = tpu.memref_squeeze %dma_wait3A_72 : memref<1x64xi32, #tpu.memory_space<vmem>> -> memref<64xi32, #tpu.memory_space<vmem>>
          %dma_wait3A_74 = arith.constant 0 : i32
          %dma_wait3A_75 = arith.constant 0 : i32
          %dma_wait3A_76 = tpu.memref_slice %arg2[%dma_wait3A_74, %dma_wait3A_75] : memref<10240x128xf32, #tpu.memory_space<hbm>> -> memref<10240x128xf32, #tpu.memory_space<hbm>>
          tpu.wait_indirect_dma semaphore(%arg17 : memref<!tpu.dma_semaphore, #tpu.memory_space<semaphore_mem>>) src(%dma_wait3A_76 : memref<10240x128xf32, #tpu.memory_space<hbm>>) dst(%arg13 : memref<64x128xf32, #tpu.memory_space<vmem>>)
          "tpu.region"() ({
            %run_scoped3A = tpu.sem_alloc : memref<!tpu.dma_semaphore, #tpu.memory_space<semaphore_mem>>
            %dma_start3A_135 = arith.constant 0 : i32
            %dma_start3A_136 = tpu.memref_slice %arg12[%add3A_71, %dma_start3A_135] : memref<64x64xi32, #tpu.memory_space<vmem>> -> memref<1x64xi32, #tpu.memory_space<vmem>>
            %dma_start3A_137 = tpu.memref_squeeze %dma_start3A_136 : memref<1x64xi32, #tpu.memory_space<vmem>> -> memref<64xi32, #tpu.memory_space<vmem>>
            %dma_start3A_138 = arith.constant 0 : i32
            %dma_start3A_139 = arith.constant 0 : i32
            %dma_start3A_140 = tpu.memref_slice %arg10[%dma_start3A_138, %dma_start3A_139] : memref<10240x128xf32, #tpu.memory_space<vmem_shared>> -> memref<10240x128xf32, #tpu.memory_space<vmem_shared>>
            tpu.enqueue_indirect_dma source(%arg13 : memref<64x128xf32, #tpu.memory_space<vmem>>) target(%dma_start3A_140 : memref<10240x128xf32, #tpu.memory_space<vmem_shared>>) offsets(%dma_start3A_137 : memref<64xi32, #tpu.memory_space<vmem>>) semaphore(%run_scoped3A : memref<!tpu.dma_semaphore, #tpu.memory_space<semaphore_mem>>) {add = true}
            %dma_wait3A_141 = arith.constant 0 : i32
            %dma_wait3A_142 = tpu.memref_slice %arg12[%add3A_71, %dma_wait3A_141] : memref<64x64xi32, #tpu.memory_space<vmem>> -> memref<1x64xi32, #tpu.memory_space<vmem>>
            %dma_wait3A_143 = tpu.memref_squeeze %dma_wait3A_142 : memref<1x64xi32, #tpu.memory_space<vmem>> -> memref<64xi32, #tpu.memory_space<vmem>>
            %dma_wait3A_144 = arith.constant 0 : i32
            %dma_wait3A_145 = arith.constant 0 : i32
            %dma_wait3A_146 = tpu.memref_slice %arg10[%dma_wait3A_144, %dma_wait3A_145] : memref<10240x128xf32, #tpu.memory_space<vmem_shared>> -> memref<10240x128xf32, #tpu.memory_space<vmem_shared>>
            tpu.wait_indirect_dma semaphore(%run_scoped3A : memref<!tpu.dma_semaphore, #tpu.memory_space<semaphore_mem>>) src(%arg13 : memref<64x128xf32, #tpu.memory_space<vmem>>) dst(%dma_wait3A_146 : memref<10240x128xf32, #tpu.memory_space<vmem_shared>>)
            tpu.yield
          }) : () -> ()
          %add3A_77 = arith.constant 4 : i32
          %add3A_78 = arith.addi %add3A_71, %add3A_77 : i32
          %sub3A = arith.constant 1 : i32
          %sub3A_79 = arith.subi %add3A_78, %sub3A : i32
          %lt3A = arith.constant 64 : i32
          %lt3A_80 = arith.cmpi slt, %sub3A_79, %lt3A : i32
          %convert_element_type3A_81 = arith.extui %lt3A_80 : i1 to i32
          %cond3A_82 = arith.constant 0 : i32
          %cond3A_83 = arith.cmpi ne, %convert_element_type3A_81, %cond3A_82 : i32
          scf.if %cond3A_83 {
            %add3A_135 = arith.constant 4 : i32
            %add3A_136 = arith.addi %add3A_71, %add3A_135 : i32
            %sub3A_137 = arith.constant 1 : i32
            %sub3A_138 = arith.subi %add3A_136, %sub3A_137 : i32
            %dma_start3A_139 = arith.constant 0 : i32
            %dma_start3A_140 = tpu.memref_slice %arg11[%sub3A_138, %dma_start3A_139] : memref<64x64xi32, #tpu.memory_space<vmem>> -> memref<1x64xi32, #tpu.memory_space<vmem>>
            %dma_start3A_141 = tpu.memref_squeeze %dma_start3A_140 : memref<1x64xi32, #tpu.memory_space<vmem>> -> memref<64xi32, #tpu.memory_space<vmem>>
            %dma_start3A_142 = arith.constant 0 : i32
            %dma_start3A_143 = arith.constant 0 : i32
            %dma_start3A_144 = tpu.memref_slice %arg2[%dma_start3A_142, %dma_start3A_143] : memref<10240x128xf32, #tpu.memory_space<hbm>> -> memref<10240x128xf32, #tpu.memory_space<hbm>>
            tpu.enqueue_indirect_dma source(%dma_start3A_144 : memref<10240x128xf32, #tpu.memory_space<hbm>>) target(%arg16 : memref<64x128xf32, #tpu.memory_space<vmem>>) offsets(%dma_start3A_141 : memref<64xi32, #tpu.memory_space<vmem>>) semaphore(%arg20 : memref<!tpu.dma_semaphore, #tpu.memory_space<semaphore_mem>>)
          } else {
          }
          %add3A_84 = arith.constant 1 : i32
          %add3A_85 = arith.addi %mul3A_69, %add3A_84 : i32
          %dma_wait3A_86 = arith.constant 0 : i32
          %dma_wait3A_87 = tpu.memref_slice %arg11[%add3A_85, %dma_wait3A_86] : memref<64x64xi32, #tpu.memory_space<vmem>> -> memref<1x64xi32, #tpu.memory_space<vmem>>
          %dma_wait3A_88 = tpu.memref_squeeze %dma_wait3A_87 : memref<1x64xi32, #tpu.memory_space<vmem>> -> memref<64xi32, #tpu.memory_space<vmem>>
          %dma_wait3A_89 = arith.constant 0 : i32
          %dma_wait3A_90 = arith.constant 0 : i32
          %dma_wait3A_91 = tpu.memref_slice %arg2[%dma_wait3A_89, %dma_wait3A_90] : memref<10240x128xf32, #tpu.memory_space<hbm>> -> memref<10240x128xf32, #tpu.memory_space<hbm>>
          tpu.wait_indirect_dma semaphore(%arg18 : memref<!tpu.dma_semaphore, #tpu.memory_space<semaphore_mem>>) src(%dma_wait3A_91 : memref<10240x128xf32, #tpu.memory_space<hbm>>) dst(%arg14 : memref<64x128xf32, #tpu.memory_space<vmem>>)
          "tpu.region"() ({
            %run_scoped3A = tpu.sem_alloc : memref<!tpu.dma_semaphore, #tpu.memory_space<semaphore_mem>>
            %dma_start3A_135 = arith.constant 0 : i32
            %dma_start3A_136 = tpu.memref_slice %arg12[%add3A_85, %dma_start3A_135] : memref<64x64xi32, #tpu.memory_space<vmem>> -> memref<1x64xi32, #tpu.memory_space<vmem>>
            %dma_start3A_137 = tpu.memref_squeeze %dma_start3A_136 : memref<1x64xi32, #tpu.memory_space<vmem>> -> memref<64xi32, #tpu.memory_space<vmem>>
            %dma_start3A_138 = arith.constant 0 : i32
            %dma_start3A_139 = arith.constant 0 : i32
            %dma_start3A_140 = tpu.memref_slice %arg10[%dma_start3A_138, %dma_start3A_139] : memref<10240x128xf32, #tpu.memory_space<vmem_shared>> -> memref<10240x128xf32, #tpu.memory_space<vmem_shared>>
            tpu.enqueue_indirect_dma source(%arg14 : memref<64x128xf32, #tpu.memory_space<vmem>>) target(%dma_start3A_140 : memref<10240x128xf32, #tpu.memory_space<vmem_shared>>) offsets(%dma_start3A_137 : memref<64xi32, #tpu.memory_space<vmem>>) semaphore(%run_scoped3A : memref<!tpu.dma_semaphore, #tpu.memory_space<semaphore_mem>>) {add = true}
            %dma_wait3A_141 = arith.constant 0 : i32
            %dma_wait3A_142 = tpu.memref_slice %arg12[%add3A_85, %dma_wait3A_141] : memref<64x64xi32, #tpu.memory_space<vmem>> -> memref<1x64xi32, #tpu.memory_space<vmem>>
            %dma_wait3A_143 = tpu.memref_squeeze %dma_wait3A_142 : memref<1x64xi32, #tpu.memory_space<vmem>> -> memref<64xi32, #tpu.memory_space<vmem>>
            %dma_wait3A_144 = arith.constant 0 : i32
            %dma_wait3A_145 = arith.constant 0 : i32
            %dma_wait3A_146 = tpu.memref_slice %arg10[%dma_wait3A_144, %dma_wait3A_145] : memref<10240x128xf32, #tpu.memory_space<vmem_shared>> -> memref<10240x128xf32, #tpu.memory_space<vmem_shared>>
            tpu.wait_indirect_dma semaphore(%run_scoped3A : memref<!tpu.dma_semaphore, #tpu.memory_space<semaphore_mem>>) src(%arg14 : memref<64x128xf32, #tpu.memory_space<vmem>>) dst(%dma_wait3A_146 : memref<10240x128xf32, #tpu.memory_space<vmem_shared>>)
            tpu.yield
          }) : () -> ()
          %add3A_92 = arith.constant 4 : i32
          %add3A_93 = arith.addi %add3A_85, %add3A_92 : i32
          %sub3A_94 = arith.constant 1 : i32
          %sub3A_95 = arith.subi %add3A_93, %sub3A_94 : i32
          %lt3A_96 = arith.constant 64 : i32
          %lt3A_97 = arith.cmpi slt, %sub3A_95, %lt3A_96 : i32
          %convert_element_type3A_98 = arith.extui %lt3A_97 : i1 to i32
          %cond3A_99 = arith.constant 0 : i32
          %cond3A_100 = arith.cmpi ne, %convert_element_type3A_98, %cond3A_99 : i32
          scf.if %cond3A_100 {
            %add3A_135 = arith.constant 4 : i32
            %add3A_136 = arith.addi %add3A_85, %add3A_135 : i32
            %sub3A_137 = arith.constant 1 : i32
            %sub3A_138 = arith.subi %add3A_136, %sub3A_137 : i32
            %dma_start3A_139 = arith.constant 0 : i32
            %dma_start3A_140 = tpu.memref_slice %arg11[%sub3A_138, %dma_start3A_139] : memref<64x64xi32, #tpu.memory_space<vmem>> -> memref<1x64xi32, #tpu.memory_space<vmem>>
            %dma_start3A_141 = tpu.memref_squeeze %dma_start3A_140 : memref<1x64xi32, #tpu.memory_space<vmem>> -> memref<64xi32, #tpu.memory_space<vmem>>
            %dma_start3A_142 = arith.constant 0 : i32
            %dma_start3A_143 = arith.constant 0 : i32
            %dma_start3A_144 = tpu.memref_slice %arg2[%dma_start3A_142, %dma_start3A_143] : memref<10240x128xf32, #tpu.memory_space<hbm>> -> memref<10240x128xf32, #tpu.memory_space<hbm>>
            tpu.enqueue_indirect_dma source(%dma_start3A_144 : memref<10240x128xf32, #tpu.memory_space<hbm>>) target(%arg13 : memref<64x128xf32, #tpu.memory_space<vmem>>) offsets(%dma_start3A_141 : memref<64xi32, #tpu.memory_space<vmem>>) semaphore(%arg17 : memref<!tpu.dma_semaphore, #tpu.memory_space<semaphore_mem>>)
          } else {
          }
          %add3A_101 = arith.constant 2 : i32
          %add3A_102 = arith.addi %mul3A_69, %add3A_101 : i32
          %dma_wait3A_103 = arith.constant 0 : i32
          %dma_wait3A_104 = tpu.memref_slice %arg11[%add3A_102, %dma_wait3A_103] : memref<64x64xi32, #tpu.memory_space<vmem>> -> memref<1x64xi32, #tpu.memory_space<vmem>>
          %dma_wait3A_105 = tpu.memref_squeeze %dma_wait3A_104 : memref<1x64xi32, #tpu.memory_space<vmem>> -> memref<64xi32, #tpu.memory_space<vmem>>
          %dma_wait3A_106 = arith.constant 0 : i32
          %dma_wait3A_107 = arith.constant 0 : i32
          %dma_wait3A_108 = tpu.memref_slice %arg2[%dma_wait3A_106, %dma_wait3A_107] : memref<10240x128xf32, #tpu.memory_space<hbm>> -> memref<10240x128xf32, #tpu.memory_space<hbm>>
          tpu.wait_indirect_dma semaphore(%arg19 : memref<!tpu.dma_semaphore, #tpu.memory_space<semaphore_mem>>) src(%dma_wait3A_108 : memref<10240x128xf32, #tpu.memory_space<hbm>>) dst(%arg15 : memref<64x128xf32, #tpu.memory_space<vmem>>)
          "tpu.region"() ({
            %run_scoped3A = tpu.sem_alloc : memref<!tpu.dma_semaphore, #tpu.memory_space<semaphore_mem>>
            %dma_start3A_135 = arith.constant 0 : i32
            %dma_start3A_136 = tpu.memref_slice %arg12[%add3A_102, %dma_start3A_135] : memref<64x64xi32, #tpu.memory_space<vmem>> -> memref<1x64xi32, #tpu.memory_space<vmem>>
            %dma_start3A_137 = tpu.memref_squeeze %dma_start3A_136 : memref<1x64xi32, #tpu.memory_space<vmem>> -> memref<64xi32, #tpu.memory_space<vmem>>
            %dma_start3A_138 = arith.constant 0 : i32
            %dma_start3A_139 = arith.constant 0 : i32
            %dma_start3A_140 = tpu.memref_slice %arg10[%dma_start3A_138, %dma_start3A_139] : memref<10240x128xf32, #tpu.memory_space<vmem_shared>> -> memref<10240x128xf32, #tpu.memory_space<vmem_shared>>
            tpu.enqueue_indirect_dma source(%arg15 : memref<64x128xf32, #tpu.memory_space<vmem>>) target(%dma_start3A_140 : memref<10240x128xf32, #tpu.memory_space<vmem_shared>>) offsets(%dma_start3A_137 : memref<64xi32, #tpu.memory_space<vmem>>) semaphore(%run_scoped3A : memref<!tpu.dma_semaphore, #tpu.memory_space<semaphore_mem>>) {add = true}
            %dma_wait3A_141 = arith.constant 0 : i32
            %dma_wait3A_142 = tpu.memref_slice %arg12[%add3A_102, %dma_wait3A_141] : memref<64x64xi32, #tpu.memory_space<vmem>> -> memref<1x64xi32, #tpu.memory_space<vmem>>
            %dma_wait3A_143 = tpu.memref_squeeze %dma_wait3A_142 : memref<1x64xi32, #tpu.memory_space<vmem>> -> memref<64xi32, #tpu.memory_space<vmem>>
            %dma_wait3A_144 = arith.constant 0 : i32
            %dma_wait3A_145 = arith.constant 0 : i32
            %dma_wait3A_146 = tpu.memref_slice %arg10[%dma_wait3A_144, %dma_wait3A_145] : memref<10240x128xf32, #tpu.memory_space<vmem_shared>> -> memref<10240x128xf32, #tpu.memory_space<vmem_shared>>
            tpu.wait_indirect_dma semaphore(%run_scoped3A : memref<!tpu.dma_semaphore, #tpu.memory_space<semaphore_mem>>) src(%arg15 : memref<64x128xf32, #tpu.memory_space<vmem>>) dst(%dma_wait3A_146 : memref<10240x128xf32, #tpu.memory_space<vmem_shared>>)
            tpu.yield
          }) : () -> ()
          %add3A_109 = arith.constant 4 : i32
          %add3A_110 = arith.addi %add3A_102, %add3A_109 : i32
          %sub3A_111 = arith.constant 1 : i32
          %sub3A_112 = arith.subi %add3A_110, %sub3A_111 : i32
          %lt3A_113 = arith.constant 64 : i32
          %lt3A_114 = arith.cmpi slt, %sub3A_112, %lt3A_113 : i32
          %convert_element_type3A_115 = arith.extui %lt3A_114 : i1 to i32
          %cond3A_116 = arith.constant 0 : i32
          %cond3A_117 = arith.cmpi ne, %convert_element_type3A_115, %cond3A_116 : i32
          scf.if %cond3A_117 {
            %add3A_135 = arith.constant 4 : i32
            %add3A_136 = arith.addi %add3A_102, %add3A_135 : i32
            %sub3A_137 = arith.constant 1 : i32
            %sub3A_138 = arith.subi %add3A_136, %sub3A_137 : i32
            %dma_start3A_139 = arith.constant 0 : i32
            %dma_start3A_140 = tpu.memref_slice %arg11[%sub3A_138, %dma_start3A_139] : memref<64x64xi32, #tpu.memory_space<vmem>> -> memref<1x64xi32, #tpu.memory_space<vmem>>
            %dma_start3A_141 = tpu.memref_squeeze %dma_start3A_140 : memref<1x64xi32, #tpu.memory_space<vmem>> -> memref<64xi32, #tpu.memory_space<vmem>>
            %dma_start3A_142 = arith.constant 0 : i32
            %dma_start3A_143 = arith.constant 0 : i32
            %dma_start3A_144 = tpu.memref_slice %arg2[%dma_start3A_142, %dma_start3A_143] : memref<10240x128xf32, #tpu.memory_space<hbm>> -> memref<10240x128xf32, #tpu.memory_space<hbm>>
            tpu.enqueue_indirect_dma source(%dma_start3A_144 : memref<10240x128xf32, #tpu.memory_space<hbm>>) target(%arg14 : memref<64x128xf32, #tpu.memory_space<vmem>>) offsets(%dma_start3A_141 : memref<64xi32, #tpu.memory_space<vmem>>) semaphore(%arg18 : memref<!tpu.dma_semaphore, #tpu.memory_space<semaphore_mem>>)
          } else {
          }
          %add3A_118 = arith.constant 3 : i32
          %add3A_119 = arith.addi %mul3A_69, %add3A_118 : i32
          %dma_wait3A_120 = arith.constant 0 : i32
          %dma_wait3A_121 = tpu.memref_slice %arg11[%add3A_119, %dma_wait3A_120] : memref<64x64xi32, #tpu.memory_space<vmem>> -> memref<1x64xi32, #tpu.memory_space<vmem>>
          %dma_wait3A_122 = tpu.memref_squeeze %dma_wait3A_121 : memref<1x64xi32, #tpu.memory_space<vmem>> -> memref<64xi32, #tpu.memory_space<vmem>>
          %dma_wait3A_123 = arith.constant 0 : i32
          %dma_wait3A_124 = arith.constant 0 : i32
          %dma_wait3A_125 = tpu.memref_slice %arg2[%dma_wait3A_123, %dma_wait3A_124] : memref<10240x128xf32, #tpu.memory_space<hbm>> -> memref<10240x128xf32, #tpu.memory_space<hbm>>
          tpu.wait_indirect_dma semaphore(%arg20 : memref<!tpu.dma_semaphore, #tpu.memory_space<semaphore_mem>>) src(%dma_wait3A_125 : memref<10240x128xf32, #tpu.memory_space<hbm>>) dst(%arg16 : memref<64x128xf32, #tpu.memory_space<vmem>>)
          "tpu.region"() ({
            %run_scoped3A = tpu.sem_alloc : memref<!tpu.dma_semaphore, #tpu.memory_space<semaphore_mem>>
            %dma_start3A_135 = arith.constant 0 : i32
            %dma_start3A_136 = tpu.memref_slice %arg12[%add3A_119, %dma_start3A_135] : memref<64x64xi32, #tpu.memory_space<vmem>> -> memref<1x64xi32, #tpu.memory_space<vmem>>
            %dma_start3A_137 = tpu.memref_squeeze %dma_start3A_136 : memref<1x64xi32, #tpu.memory_space<vmem>> -> memref<64xi32, #tpu.memory_space<vmem>>
            %dma_start3A_138 = arith.constant 0 : i32
            %dma_start3A_139 = arith.constant 0 : i32
            %dma_start3A_140 = tpu.memref_slice %arg10[%dma_start3A_138, %dma_start3A_139] : memref<10240x128xf32, #tpu.memory_space<vmem_shared>> -> memref<10240x128xf32, #tpu.memory_space<vmem_shared>>
            tpu.enqueue_indirect_dma source(%arg16 : memref<64x128xf32, #tpu.memory_space<vmem>>) target(%dma_start3A_140 : memref<10240x128xf32, #tpu.memory_space<vmem_shared>>) offsets(%dma_start3A_137 : memref<64xi32, #tpu.memory_space<vmem>>) semaphore(%run_scoped3A : memref<!tpu.dma_semaphore, #tpu.memory_space<semaphore_mem>>) {add = true}
            %dma_wait3A_141 = arith.constant 0 : i32
            %dma_wait3A_142 = tpu.memref_slice %arg12[%add3A_119, %dma_wait3A_141] : memref<64x64xi32, #tpu.memory_space<vmem>> -> memref<1x64xi32, #tpu.memory_space<vmem>>
            %dma_wait3A_143 = tpu.memref_squeeze %dma_wait3A_142 : memref<1x64xi32, #tpu.memory_space<vmem>> -> memref<64xi32, #tpu.memory_space<vmem>>
            %dma_wait3A_144 = arith.constant 0 : i32
            %dma_wait3A_145 = arith.constant 0 : i32
            %dma_wait3A_146 = tpu.memref_slice %arg10[%dma_wait3A_144, %dma_wait3A_145] : memref<10240x128xf32, #tpu.memory_space<vmem_shared>> -> memref<10240x128xf32, #tpu.memory_space<vmem_shared>>
            tpu.wait_indirect_dma semaphore(%run_scoped3A : memref<!tpu.dma_semaphore, #tpu.memory_space<semaphore_mem>>) src(%arg16 : memref<64x128xf32, #tpu.memory_space<vmem>>) dst(%dma_wait3A_146 : memref<10240x128xf32, #tpu.memory_space<vmem_shared>>)
            tpu.yield
          }) : () -> ()
          %add3A_126 = arith.constant 4 : i32
          %add3A_127 = arith.addi %add3A_119, %add3A_126 : i32
          %sub3A_128 = arith.constant 1 : i32
          %sub3A_129 = arith.subi %add3A_127, %sub3A_128 : i32
          %lt3A_130 = arith.constant 64 : i32
          %lt3A_131 = arith.cmpi slt, %sub3A_129, %lt3A_130 : i32
          %convert_element_type3A_132 = arith.extui %lt3A_131 : i1 to i32
          %cond3A_133 = arith.constant 0 : i32
          %cond3A_134 = arith.cmpi ne, %convert_element_type3A_132, %cond3A_133 : i32
          scf.if %cond3A_134 {
            %add3A_135 = arith.constant 4 : i32
            %add3A_136 = arith.addi %add3A_119, %add3A_135 : i32
            %sub3A_137 = arith.constant 1 : i32
            %sub3A_138 = arith.subi %add3A_136, %sub3A_137 : i32
            %dma_start3A_139 = arith.constant 0 : i32
            %dma_start3A_140 = tpu.memref_slice %arg11[%sub3A_138, %dma_start3A_139] : memref<64x64xi32, #tpu.memory_space<vmem>> -> memref<1x64xi32, #tpu.memory_space<vmem>>
            %dma_start3A_141 = tpu.memref_squeeze %dma_start3A_140 : memref<1x64xi32, #tpu.memory_space<vmem>> -> memref<64xi32, #tpu.memory_space<vmem>>
            %dma_start3A_142 = arith.constant 0 : i32
            %dma_start3A_143 = arith.constant 0 : i32
            %dma_start3A_144 = tpu.memref_slice %arg2[%dma_start3A_142, %dma_start3A_143] : memref<10240x128xf32, #tpu.memory_space<hbm>> -> memref<10240x128xf32, #tpu.memory_space<hbm>>
            tpu.enqueue_indirect_dma source(%dma_start3A_144 : memref<10240x128xf32, #tpu.memory_space<hbm>>) target(%arg15 : memref<64x128xf32, #tpu.memory_space<vmem>>) offsets(%dma_start3A_141 : memref<64xi32, #tpu.memory_space<vmem>>) semaphore(%arg19 : memref<!tpu.dma_semaphore, #tpu.memory_space<semaphore_mem>>)
          } else {
          }
        }
        %scan3A_66 = arith.constant 16 : i32
      }
      %scan3A_37 = arith.constant 5 : i32
    } else {
    }
    %eq3A_16 = arith.constant 1 : i32
    %eq3A_17 = arith.cmpi eq, %arg0, %eq3A_16 : i32
    %convert_element_type3A_18 = arith.extui %eq3A_17 : i1 to i32
    %cond3A_19 = arith.constant 0 : i32
    %cond3A_20 = arith.cmpi ne, %convert_element_type3A_18, %cond3A_19 : i32
    scf.if %cond3A_20 {
      %scan3A_32 = arith.constant 0 : i32
      %scan3A_33 = arith.constant 0 : i32
      %scan3A_34 = arith.constant 5 : i32
      %scan3A_35 = arith.addi %scan3A_33, %scan3A_34 : i32
      %scan3A_36 = arith.constant 1 : i32
      scf.for %scan3A_38 = %scan3A_33 to %scan3A_35 step %scan3A_36  : i32 {
        %mul3A_39 = arith.constant 64 : i32
        %mul3A_40 = arith.muli %scan3A_38, %mul3A_39 : i32
        %add3A = arith.addi %mul3A_13, %mul3A_40 : i32
        "tpu.region"() ({
          %run_scoped3A = tpu.sem_alloc : memref<!tpu.dma_semaphore, #tpu.memory_space<semaphore_mem>>
          %dma_start3A_67 = arith.constant 0 : i32
          %dma_start3A_68 = tpu.memref_slice %arg6[%add3A, %dma_start3A_67] : memref<5120x64xi32, #tpu.memory_space<hbm>> -> memref<64x64xi32, #tpu.memory_space<hbm>>
          %dma_start3A_69 = arith.constant 0 : i32
          %dma_start3A_70 = tpu.memref_slice %arg6[%add3A, %dma_start3A_69] : memref<5120x64xi32, #tpu.memory_space<hbm>> -> memref<64x64xi32, #tpu.memory_space<hbm>>
          tpu.enqueue_dma source(%dma_start3A_70 : memref<64x64xi32, #tpu.memory_space<hbm>>) target(%arg11 : memref<64x64xi32, #tpu.memory_space<vmem>>) target_semaphore(%run_scoped3A : memref<!tpu.dma_semaphore, #tpu.memory_space<semaphore_mem>>)
          %dma_wait3A = arith.constant 0 : i32
          %dma_wait3A_71 = tpu.memref_slice %arg6[%add3A, %dma_wait3A] : memref<5120x64xi32, #tpu.memory_space<hbm>> -> memref<64x64xi32, #tpu.memory_space<hbm>>
          %dma_wait3A_72 = arith.constant 0 : i32
          %dma_wait3A_73 = tpu.memref_slice %arg6[%add3A, %dma_wait3A_72] : memref<5120x64xi32, #tpu.memory_space<hbm>> -> memref<64x64xi32, #tpu.memory_space<hbm>>
          tpu.wait_dma2 semaphore(%run_scoped3A : memref<!tpu.dma_semaphore, #tpu.memory_space<semaphore_mem>>) src(%dma_wait3A_73 : memref<64x64xi32, #tpu.memory_space<hbm>>) dst(%arg11 : memref<64x64xi32, #tpu.memory_space<vmem>>)
          tpu.yield
        }) : () -> ()
        "tpu.region"() ({
          %run_scoped3A = tpu.sem_alloc : memref<!tpu.dma_semaphore, #tpu.memory_space<semaphore_mem>>
          %dma_start3A_67 = arith.constant 0 : i32
          %dma_start3A_68 = tpu.memref_slice %arg7[%add3A, %dma_start3A_67] : memref<5120x64xi32, #tpu.memory_space<hbm>> -> memref<64x64xi32, #tpu.memory_space<hbm>>
          %dma_start3A_69 = arith.constant 0 : i32
          %dma_start3A_70 = tpu.memref_slice %arg7[%add3A, %dma_start3A_69] : memref<5120x64xi32, #tpu.memory_space<hbm>> -> memref<64x64xi32, #tpu.memory_space<hbm>>
          tpu.enqueue_dma source(%dma_start3A_70 : memref<64x64xi32, #tpu.memory_space<hbm>>) target(%arg12 : memref<64x64xi32, #tpu.memory_space<vmem>>) target_semaphore(%run_scoped3A : memref<!tpu.dma_semaphore, #tpu.memory_space<semaphore_mem>>)
          %dma_wait3A = arith.constant 0 : i32
          %dma_wait3A_71 = tpu.memref_slice %arg7[%add3A, %dma_wait3A] : memref<5120x64xi32, #tpu.memory_space<hbm>> -> memref<64x64xi32, #tpu.memory_space<hbm>>
          %dma_wait3A_72 = arith.constant 0 : i32
          %dma_wait3A_73 = tpu.memref_slice %arg7[%add3A, %dma_wait3A_72] : memref<5120x64xi32, #tpu.memory_space<hbm>> -> memref<64x64xi32, #tpu.memory_space<hbm>>
          tpu.wait_dma2 semaphore(%run_scoped3A : memref<!tpu.dma_semaphore, #tpu.memory_space<semaphore_mem>>) src(%dma_wait3A_73 : memref<64x64xi32, #tpu.memory_space<hbm>>) dst(%arg12 : memref<64x64xi32, #tpu.memory_space<vmem>>)
          tpu.yield
        }) : () -> ()
        %dma_start3A = arith.constant 0 : i32
        %dma_start3A_41 = arith.constant 0 : i32
        %dma_start3A_42 = tpu.memref_slice %arg11[%dma_start3A, %dma_start3A_41] : memref<64x64xi32, #tpu.memory_space<vmem>> -> memref<1x64xi32, #tpu.memory_space<vmem>>
        %dma_start3A_43 = tpu.memref_squeeze %dma_start3A_42 : memref<1x64xi32, #tpu.memory_space<vmem>> -> memref<64xi32, #tpu.memory_space<vmem>>
        %dma_start3A_44 = arith.constant 0 : i32
        %dma_start3A_45 = arith.constant 0 : i32
        %dma_start3A_46 = tpu.memref_slice %arg3[%dma_start3A_44, %dma_start3A_45] : memref<10240x128xf32, #tpu.memory_space<hbm>> -> memref<10240x128xf32, #tpu.memory_space<hbm>>
        tpu.enqueue_indirect_dma source(%dma_start3A_46 : memref<10240x128xf32, #tpu.memory_space<hbm>>) target(%arg13 : memref<64x128xf32, #tpu.memory_space<vmem>>) offsets(%dma_start3A_43 : memref<64xi32, #tpu.memory_space<vmem>>) semaphore(%arg17 : memref<!tpu.dma_semaphore, #tpu.memory_space<semaphore_mem>>)
        %dma_start3A_47 = arith.constant 1 : i32
        %dma_start3A_48 = arith.constant 0 : i32
        %dma_start3A_49 = tpu.memref_slice %arg11[%dma_start3A_47, %dma_start3A_48] : memref<64x64xi32, #tpu.memory_space<vmem>> -> memref<1x64xi32, #tpu.memory_space<vmem>>
        %dma_start3A_50 = tpu.memref_squeeze %dma_start3A_49 : memref<1x64xi32, #tpu.memory_space<vmem>> -> memref<64xi32, #tpu.memory_space<vmem>>
        %dma_start3A_51 = arith.constant 0 : i32
        %dma_start3A_52 = arith.constant 0 : i32
        %dma_start3A_53 = tpu.memref_slice %arg3[%dma_start3A_51, %dma_start3A_52] : memref<10240x128xf32, #tpu.memory_space<hbm>> -> memref<10240x128xf32, #tpu.memory_space<hbm>>
        tpu.enqueue_indirect_dma source(%dma_start3A_53 : memref<10240x128xf32, #tpu.memory_space<hbm>>) target(%arg14 : memref<64x128xf32, #tpu.memory_space<vmem>>) offsets(%dma_start3A_50 : memref<64xi32, #tpu.memory_space<vmem>>) semaphore(%arg18 : memref<!tpu.dma_semaphore, #tpu.memory_space<semaphore_mem>>)
        %dma_start3A_54 = arith.constant 2 : i32
        %dma_start3A_55 = arith.constant 0 : i32
        %dma_start3A_56 = tpu.memref_slice %arg11[%dma_start3A_54, %dma_start3A_55] : memref<64x64xi32, #tpu.memory_space<vmem>> -> memref<1x64xi32, #tpu.memory_space<vmem>>
        %dma_start3A_57 = tpu.memref_squeeze %dma_start3A_56 : memref<1x64xi32, #tpu.memory_space<vmem>> -> memref<64xi32, #tpu.memory_space<vmem>>
        %dma_start3A_58 = arith.constant 0 : i32
        %dma_start3A_59 = arith.constant 0 : i32
        %dma_start3A_60 = tpu.memref_slice %arg3[%dma_start3A_58, %dma_start3A_59] : memref<10240x128xf32, #tpu.memory_space<hbm>> -> memref<10240x128xf32, #tpu.memory_space<hbm>>
        tpu.enqueue_indirect_dma source(%dma_start3A_60 : memref<10240x128xf32, #tpu.memory_space<hbm>>) target(%arg15 : memref<64x128xf32, #tpu.memory_space<vmem>>) offsets(%dma_start3A_57 : memref<64xi32, #tpu.memory_space<vmem>>) semaphore(%arg19 : memref<!tpu.dma_semaphore, #tpu.memory_space<semaphore_mem>>)
        %scan3A_61 = arith.constant 0 : i32
        %scan3A_62 = arith.constant 0 : i32
        %scan3A_63 = arith.constant 16 : i32
        %scan3A_64 = arith.addi %scan3A_62, %scan3A_63 : i32
        %scan3A_65 = arith.constant 1 : i32
        scf.for %scan3A_67 = %scan3A_62 to %scan3A_64 step %scan3A_65  : i32 {
          %mul3A_68 = arith.constant 4 : i32
          %mul3A_69 = arith.muli %scan3A_67, %mul3A_68 : i32
          %add3A_70 = arith.constant 0 : i32
          %add3A_71 = arith.addi %mul3A_69, %add3A_70 : i32
          %dma_wait3A = arith.constant 0 : i32
          %dma_wait3A_72 = tpu.memref_slice %arg11[%add3A_71, %dma_wait3A] : memref<64x64xi32, #tpu.memory_space<vmem>> -> memref<1x64xi32, #tpu.memory_space<vmem>>
          %dma_wait3A_73 = tpu.memref_squeeze %dma_wait3A_72 : memref<1x64xi32, #tpu.memory_space<vmem>> -> memref<64xi32, #tpu.memory_space<vmem>>
          %dma_wait3A_74 = arith.constant 0 : i32
          %dma_wait3A_75 = arith.constant 0 : i32
          %dma_wait3A_76 = tpu.memref_slice %arg3[%dma_wait3A_74, %dma_wait3A_75] : memref<10240x128xf32, #tpu.memory_space<hbm>> -> memref<10240x128xf32, #tpu.memory_space<hbm>>
          tpu.wait_indirect_dma semaphore(%arg17 : memref<!tpu.dma_semaphore, #tpu.memory_space<semaphore_mem>>) src(%dma_wait3A_76 : memref<10240x128xf32, #tpu.memory_space<hbm>>) dst(%arg13 : memref<64x128xf32, #tpu.memory_space<vmem>>)
          "tpu.region"() ({
            %run_scoped3A = tpu.sem_alloc : memref<!tpu.dma_semaphore, #tpu.memory_space<semaphore_mem>>
            %dma_start3A_135 = arith.constant 0 : i32
            %dma_start3A_136 = tpu.memref_slice %arg12[%add3A_71, %dma_start3A_135] : memref<64x64xi32, #tpu.memory_space<vmem>> -> memref<1x64xi32, #tpu.memory_space<vmem>>
            %dma_start3A_137 = tpu.memref_squeeze %dma_start3A_136 : memref<1x64xi32, #tpu.memory_space<vmem>> -> memref<64xi32, #tpu.memory_space<vmem>>
            %dma_start3A_138 = arith.constant 0 : i32
            %dma_start3A_139 = arith.constant 0 : i32
            %dma_start3A_140 = tpu.memref_slice %arg10[%dma_start3A_138, %dma_start3A_139] : memref<10240x128xf32, #tpu.memory_space<vmem_shared>> -> memref<10240x128xf32, #tpu.memory_space<vmem_shared>>
            tpu.enqueue_indirect_dma source(%arg13 : memref<64x128xf32, #tpu.memory_space<vmem>>) target(%dma_start3A_140 : memref<10240x128xf32, #tpu.memory_space<vmem_shared>>) offsets(%dma_start3A_137 : memref<64xi32, #tpu.memory_space<vmem>>) semaphore(%run_scoped3A : memref<!tpu.dma_semaphore, #tpu.memory_space<semaphore_mem>>) {add = true}
            %dma_wait3A_141 = arith.constant 0 : i32
            %dma_wait3A_142 = tpu.memref_slice %arg12[%add3A_71, %dma_wait3A_141] : memref<64x64xi32, #tpu.memory_space<vmem>> -> memref<1x64xi32, #tpu.memory_space<vmem>>
            %dma_wait3A_143 = tpu.memref_squeeze %dma_wait3A_142 : memref<1x64xi32, #tpu.memory_space<vmem>> -> memref<64xi32, #tpu.memory_space<vmem>>
            %dma_wait3A_144 = arith.constant 0 : i32
            %dma_wait3A_145 = arith.constant 0 : i32
            %dma_wait3A_146 = tpu.memref_slice %arg10[%dma_wait3A_144, %dma_wait3A_145] : memref<10240x128xf32, #tpu.memory_space<vmem_shared>> -> memref<10240x128xf32, #tpu.memory_space<vmem_shared>>
            tpu.wait_indirect_dma semaphore(%run_scoped3A : memref<!tpu.dma_semaphore, #tpu.memory_space<semaphore_mem>>) src(%arg13 : memref<64x128xf32, #tpu.memory_space<vmem>>) dst(%dma_wait3A_146 : memref<10240x128xf32, #tpu.memory_space<vmem_shared>>)
            tpu.yield
          }) : () -> ()
          %add3A_77 = arith.constant 4 : i32
          %add3A_78 = arith.addi %add3A_71, %add3A_77 : i32
          %sub3A = arith.constant 1 : i32
          %sub3A_79 = arith.subi %add3A_78, %sub3A : i32
          %lt3A = arith.constant 64 : i32
          %lt3A_80 = arith.cmpi slt, %sub3A_79, %lt3A : i32
          %convert_element_type3A_81 = arith.extui %lt3A_80 : i1 to i32
          %cond3A_82 = arith.constant 0 : i32
          %cond3A_83 = arith.cmpi ne, %convert_element_type3A_81, %cond3A_82 : i32
          scf.if %cond3A_83 {
            %add3A_135 = arith.constant 4 : i32
            %add3A_136 = arith.addi %add3A_71, %add3A_135 : i32
            %sub3A_137 = arith.constant 1 : i32
            %sub3A_138 = arith.subi %add3A_136, %sub3A_137 : i32
            %dma_start3A_139 = arith.constant 0 : i32
            %dma_start3A_140 = tpu.memref_slice %arg11[%sub3A_138, %dma_start3A_139] : memref<64x64xi32, #tpu.memory_space<vmem>> -> memref<1x64xi32, #tpu.memory_space<vmem>>
            %dma_start3A_141 = tpu.memref_squeeze %dma_start3A_140 : memref<1x64xi32, #tpu.memory_space<vmem>> -> memref<64xi32, #tpu.memory_space<vmem>>
            %dma_start3A_142 = arith.constant 0 : i32
            %dma_start3A_143 = arith.constant 0 : i32
            %dma_start3A_144 = tpu.memref_slice %arg3[%dma_start3A_142, %dma_start3A_143] : memref<10240x128xf32, #tpu.memory_space<hbm>> -> memref<10240x128xf32, #tpu.memory_space<hbm>>
            tpu.enqueue_indirect_dma source(%dma_start3A_144 : memref<10240x128xf32, #tpu.memory_space<hbm>>) target(%arg16 : memref<64x128xf32, #tpu.memory_space<vmem>>) offsets(%dma_start3A_141 : memref<64xi32, #tpu.memory_space<vmem>>) semaphore(%arg20 : memref<!tpu.dma_semaphore, #tpu.memory_space<semaphore_mem>>)
          } else {
          }
          %add3A_84 = arith.constant 1 : i32
          %add3A_85 = arith.addi %mul3A_69, %add3A_84 : i32
          %dma_wait3A_86 = arith.constant 0 : i32
          %dma_wait3A_87 = tpu.memref_slice %arg11[%add3A_85, %dma_wait3A_86] : memref<64x64xi32, #tpu.memory_space<vmem>> -> memref<1x64xi32, #tpu.memory_space<vmem>>
          %dma_wait3A_88 = tpu.memref_squeeze %dma_wait3A_87 : memref<1x64xi32, #tpu.memory_space<vmem>> -> memref<64xi32, #tpu.memory_space<vmem>>
          %dma_wait3A_89 = arith.constant 0 : i32
          %dma_wait3A_90 = arith.constant 0 : i32
          %dma_wait3A_91 = tpu.memref_slice %arg3[%dma_wait3A_89, %dma_wait3A_90] : memref<10240x128xf32, #tpu.memory_space<hbm>> -> memref<10240x128xf32, #tpu.memory_space<hbm>>
          tpu.wait_indirect_dma semaphore(%arg18 : memref<!tpu.dma_semaphore, #tpu.memory_space<semaphore_mem>>) src(%dma_wait3A_91 : memref<10240x128xf32, #tpu.memory_space<hbm>>) dst(%arg14 : memref<64x128xf32, #tpu.memory_space<vmem>>)
          "tpu.region"() ({
            %run_scoped3A = tpu.sem_alloc : memref<!tpu.dma_semaphore, #tpu.memory_space<semaphore_mem>>
            %dma_start3A_135 = arith.constant 0 : i32
            %dma_start3A_136 = tpu.memref_slice %arg12[%add3A_85, %dma_start3A_135] : memref<64x64xi32, #tpu.memory_space<vmem>> -> memref<1x64xi32, #tpu.memory_space<vmem>>
            %dma_start3A_137 = tpu.memref_squeeze %dma_start3A_136 : memref<1x64xi32, #tpu.memory_space<vmem>> -> memref<64xi32, #tpu.memory_space<vmem>>
            %dma_start3A_138 = arith.constant 0 : i32
            %dma_start3A_139 = arith.constant 0 : i32
            %dma_start3A_140 = tpu.memref_slice %arg10[%dma_start3A_138, %dma_start3A_139] : memref<10240x128xf32, #tpu.memory_space<vmem_shared>> -> memref<10240x128xf32, #tpu.memory_space<vmem_shared>>
            tpu.enqueue_indirect_dma source(%arg14 : memref<64x128xf32, #tpu.memory_space<vmem>>) target(%dma_start3A_140 : memref<10240x128xf32, #tpu.memory_space<vmem_shared>>) offsets(%dma_start3A_137 : memref<64xi32, #tpu.memory_space<vmem>>) semaphore(%run_scoped3A : memref<!tpu.dma_semaphore, #tpu.memory_space<semaphore_mem>>) {add = true}
            %dma_wait3A_141 = arith.constant 0 : i32
            %dma_wait3A_142 = tpu.memref_slice %arg12[%add3A_85, %dma_wait3A_141] : memref<64x64xi32, #tpu.memory_space<vmem>> -> memref<1x64xi32, #tpu.memory_space<vmem>>
            %dma_wait3A_143 = tpu.memref_squeeze %dma_wait3A_142 : memref<1x64xi32, #tpu.memory_space<vmem>> -> memref<64xi32, #tpu.memory_space<vmem>>
            %dma_wait3A_144 = arith.constant 0 : i32
            %dma_wait3A_145 = arith.constant 0 : i32
            %dma_wait3A_146 = tpu.memref_slice %arg10[%dma_wait3A_144, %dma_wait3A_145] : memref<10240x128xf32, #tpu.memory_space<vmem_shared>> -> memref<10240x128xf32, #tpu.memory_space<vmem_shared>>
            tpu.wait_indirect_dma semaphore(%run_scoped3A : memref<!tpu.dma_semaphore, #tpu.memory_space<semaphore_mem>>) src(%arg14 : memref<64x128xf32, #tpu.memory_space<vmem>>) dst(%dma_wait3A_146 : memref<10240x128xf32, #tpu.memory_space<vmem_shared>>)
            tpu.yield
          }) : () -> ()
          %add3A_92 = arith.constant 4 : i32
          %add3A_93 = arith.addi %add3A_85, %add3A_92 : i32
          %sub3A_94 = arith.constant 1 : i32
          %sub3A_95 = arith.subi %add3A_93, %sub3A_94 : i32
          %lt3A_96 = arith.constant 64 : i32
          %lt3A_97 = arith.cmpi slt, %sub3A_95, %lt3A_96 : i32
          %convert_element_type3A_98 = arith.extui %lt3A_97 : i1 to i32
          %cond3A_99 = arith.constant 0 : i32
          %cond3A_100 = arith.cmpi ne, %convert_element_type3A_98, %cond3A_99 : i32
          scf.if %cond3A_100 {
            %add3A_135 = arith.constant 4 : i32
            %add3A_136 = arith.addi %add3A_85, %add3A_135 : i32
            %sub3A_137 = arith.constant 1 : i32
            %sub3A_138 = arith.subi %add3A_136, %sub3A_137 : i32
            %dma_start3A_139 = arith.constant 0 : i32
            %dma_start3A_140 = tpu.memref_slice %arg11[%sub3A_138, %dma_start3A_139] : memref<64x64xi32, #tpu.memory_space<vmem>> -> memref<1x64xi32, #tpu.memory_space<vmem>>
            %dma_start3A_141 = tpu.memref_squeeze %dma_start3A_140 : memref<1x64xi32, #tpu.memory_space<vmem>> -> memref<64xi32, #tpu.memory_space<vmem>>
            %dma_start3A_142 = arith.constant 0 : i32
            %dma_start3A_143 = arith.constant 0 : i32
            %dma_start3A_144 = tpu.memref_slice %arg3[%dma_start3A_142, %dma_start3A_143] : memref<10240x128xf32, #tpu.memory_space<hbm>> -> memref<10240x128xf32, #tpu.memory_space<hbm>>
            tpu.enqueue_indirect_dma source(%dma_start3A_144 : memref<10240x128xf32, #tpu.memory_space<hbm>>) target(%arg13 : memref<64x128xf32, #tpu.memory_space<vmem>>) offsets(%dma_start3A_141 : memref<64xi32, #tpu.memory_space<vmem>>) semaphore(%arg17 : memref<!tpu.dma_semaphore, #tpu.memory_space<semaphore_mem>>)
          } else {
          }
          %add3A_101 = arith.constant 2 : i32
          %add3A_102 = arith.addi %mul3A_69, %add3A_101 : i32
          %dma_wait3A_103 = arith.constant 0 : i32
          %dma_wait3A_104 = tpu.memref_slice %arg11[%add3A_102, %dma_wait3A_103] : memref<64x64xi32, #tpu.memory_space<vmem>> -> memref<1x64xi32, #tpu.memory_space<vmem>>
          %dma_wait3A_105 = tpu.memref_squeeze %dma_wait3A_104 : memref<1x64xi32, #tpu.memory_space<vmem>> -> memref<64xi32, #tpu.memory_space<vmem>>
          %dma_wait3A_106 = arith.constant 0 : i32
          %dma_wait3A_107 = arith.constant 0 : i32
          %dma_wait3A_108 = tpu.memref_slice %arg3[%dma_wait3A_106, %dma_wait3A_107] : memref<10240x128xf32, #tpu.memory_space<hbm>> -> memref<10240x128xf32, #tpu.memory_space<hbm>>
          tpu.wait_indirect_dma semaphore(%arg19 : memref<!tpu.dma_semaphore, #tpu.memory_space<semaphore_mem>>) src(%dma_wait3A_108 : memref<10240x128xf32, #tpu.memory_space<hbm>>) dst(%arg15 : memref<64x128xf32, #tpu.memory_space<vmem>>)
          "tpu.region"() ({
            %run_scoped3A = tpu.sem_alloc : memref<!tpu.dma_semaphore, #tpu.memory_space<semaphore_mem>>
            %dma_start3A_135 = arith.constant 0 : i32
            %dma_start3A_136 = tpu.memref_slice %arg12[%add3A_102, %dma_start3A_135] : memref<64x64xi32, #tpu.memory_space<vmem>> -> memref<1x64xi32, #tpu.memory_space<vmem>>
            %dma_start3A_137 = tpu.memref_squeeze %dma_start3A_136 : memref<1x64xi32, #tpu.memory_space<vmem>> -> memref<64xi32, #tpu.memory_space<vmem>>
            %dma_start3A_138 = arith.constant 0 : i32
            %dma_start3A_139 = arith.constant 0 : i32
            %dma_start3A_140 = tpu.memref_slice %arg10[%dma_start3A_138, %dma_start3A_139] : memref<10240x128xf32, #tpu.memory_space<vmem_shared>> -> memref<10240x128xf32, #tpu.memory_space<vmem_shared>>
            tpu.enqueue_indirect_dma source(%arg15 : memref<64x128xf32, #tpu.memory_space<vmem>>) target(%dma_start3A_140 : memref<10240x128xf32, #tpu.memory_space<vmem_shared>>) offsets(%dma_start3A_137 : memref<64xi32, #tpu.memory_space<vmem>>) semaphore(%run_scoped3A : memref<!tpu.dma_semaphore, #tpu.memory_space<semaphore_mem>>) {add = true}
            %dma_wait3A_141 = arith.constant 0 : i32
            %dma_wait3A_142 = tpu.memref_slice %arg12[%add3A_102, %dma_wait3A_141] : memref<64x64xi32, #tpu.memory_space<vmem>> -> memref<1x64xi32, #tpu.memory_space<vmem>>
            %dma_wait3A_143 = tpu.memref_squeeze %dma_wait3A_142 : memref<1x64xi32, #tpu.memory_space<vmem>> -> memref<64xi32, #tpu.memory_space<vmem>>
            %dma_wait3A_144 = arith.constant 0 : i32
            %dma_wait3A_145 = arith.constant 0 : i32
            %dma_wait3A_146 = tpu.memref_slice %arg10[%dma_wait3A_144, %dma_wait3A_145] : memref<10240x128xf32, #tpu.memory_space<vmem_shared>> -> memref<10240x128xf32, #tpu.memory_space<vmem_shared>>
            tpu.wait_indirect_dma semaphore(%run_scoped3A : memref<!tpu.dma_semaphore, #tpu.memory_space<semaphore_mem>>) src(%arg15 : memref<64x128xf32, #tpu.memory_space<vmem>>) dst(%dma_wait3A_146 : memref<10240x128xf32, #tpu.memory_space<vmem_shared>>)
            tpu.yield
          }) : () -> ()
          %add3A_109 = arith.constant 4 : i32
          %add3A_110 = arith.addi %add3A_102, %add3A_109 : i32
          %sub3A_111 = arith.constant 1 : i32
          %sub3A_112 = arith.subi %add3A_110, %sub3A_111 : i32
          %lt3A_113 = arith.constant 64 : i32
          %lt3A_114 = arith.cmpi slt, %sub3A_112, %lt3A_113 : i32
          %convert_element_type3A_115 = arith.extui %lt3A_114 : i1 to i32
          %cond3A_116 = arith.constant 0 : i32
          %cond3A_117 = arith.cmpi ne, %convert_element_type3A_115, %cond3A_116 : i32
          scf.if %cond3A_117 {
            %add3A_135 = arith.constant 4 : i32
            %add3A_136 = arith.addi %add3A_102, %add3A_135 : i32
            %sub3A_137 = arith.constant 1 : i32
            %sub3A_138 = arith.subi %add3A_136, %sub3A_137 : i32
            %dma_start3A_139 = arith.constant 0 : i32
            %dma_start3A_140 = tpu.memref_slice %arg11[%sub3A_138, %dma_start3A_139] : memref<64x64xi32, #tpu.memory_space<vmem>> -> memref<1x64xi32, #tpu.memory_space<vmem>>
            %dma_start3A_141 = tpu.memref_squeeze %dma_start3A_140 : memref<1x64xi32, #tpu.memory_space<vmem>> -> memref<64xi32, #tpu.memory_space<vmem>>
            %dma_start3A_142 = arith.constant 0 : i32
            %dma_start3A_143 = arith.constant 0 : i32
            %dma_start3A_144 = tpu.memref_slice %arg3[%dma_start3A_142, %dma_start3A_143] : memref<10240x128xf32, #tpu.memory_space<hbm>> -> memref<10240x128xf32, #tpu.memory_space<hbm>>
            tpu.enqueue_indirect_dma source(%dma_start3A_144 : memref<10240x128xf32, #tpu.memory_space<hbm>>) target(%arg14 : memref<64x128xf32, #tpu.memory_space<vmem>>) offsets(%dma_start3A_141 : memref<64xi32, #tpu.memory_space<vmem>>) semaphore(%arg18 : memref<!tpu.dma_semaphore, #tpu.memory_space<semaphore_mem>>)
          } else {
          }
          %add3A_118 = arith.constant 3 : i32
          %add3A_119 = arith.addi %mul3A_69, %add3A_118 : i32
          %dma_wait3A_120 = arith.constant 0 : i32
          %dma_wait3A_121 = tpu.memref_slice %arg11[%add3A_119, %dma_wait3A_120] : memref<64x64xi32, #tpu.memory_space<vmem>> -> memref<1x64xi32, #tpu.memory_space<vmem>>
          %dma_wait3A_122 = tpu.memref_squeeze %dma_wait3A_121 : memref<1x64xi32, #tpu.memory_space<vmem>> -> memref<64xi32, #tpu.memory_space<vmem>>
          %dma_wait3A_123 = arith.constant 0 : i32
          %dma_wait3A_124 = arith.constant 0 : i32
          %dma_wait3A_125 = tpu.memref_slice %arg3[%dma_wait3A_123, %dma_wait3A_124] : memref<10240x128xf32, #tpu.memory_space<hbm>> -> memref<10240x128xf32, #tpu.memory_space<hbm>>
          tpu.wait_indirect_dma semaphore(%arg20 : memref<!tpu.dma_semaphore, #tpu.memory_space<semaphore_mem>>) src(%dma_wait3A_125 : memref<10240x128xf32, #tpu.memory_space<hbm>>) dst(%arg16 : memref<64x128xf32, #tpu.memory_space<vmem>>)
          "tpu.region"() ({
            %run_scoped3A = tpu.sem_alloc : memref<!tpu.dma_semaphore, #tpu.memory_space<semaphore_mem>>
            %dma_start3A_135 = arith.constant 0 : i32
            %dma_start3A_136 = tpu.memref_slice %arg12[%add3A_119, %dma_start3A_135] : memref<64x64xi32, #tpu.memory_space<vmem>> -> memref<1x64xi32, #tpu.memory_space<vmem>>
            %dma_start3A_137 = tpu.memref_squeeze %dma_start3A_136 : memref<1x64xi32, #tpu.memory_space<vmem>> -> memref<64xi32, #tpu.memory_space<vmem>>
            %dma_start3A_138 = arith.constant 0 : i32
            %dma_start3A_139 = arith.constant 0 : i32
            %dma_start3A_140 = tpu.memref_slice %arg10[%dma_start3A_138, %dma_start3A_139] : memref<10240x128xf32, #tpu.memory_space<vmem_shared>> -> memref<10240x128xf32, #tpu.memory_space<vmem_shared>>
            tpu.enqueue_indirect_dma source(%arg16 : memref<64x128xf32, #tpu.memory_space<vmem>>) target(%dma_start3A_140 : memref<10240x128xf32, #tpu.memory_space<vmem_shared>>) offsets(%dma_start3A_137 : memref<64xi32, #tpu.memory_space<vmem>>) semaphore(%run_scoped3A : memref<!tpu.dma_semaphore, #tpu.memory_space<semaphore_mem>>) {add = true}
            %dma_wait3A_141 = arith.constant 0 : i32
            %dma_wait3A_142 = tpu.memref_slice %arg12[%add3A_119, %dma_wait3A_141] : memref<64x64xi32, #tpu.memory_space<vmem>> -> memref<1x64xi32, #tpu.memory_space<vmem>>
            %dma_wait3A_143 = tpu.memref_squeeze %dma_wait3A_142 : memref<1x64xi32, #tpu.memory_space<vmem>> -> memref<64xi32, #tpu.memory_space<vmem>>
            %dma_wait3A_144 = arith.constant 0 : i32
            %dma_wait3A_145 = arith.constant 0 : i32
            %dma_wait3A_146 = tpu.memref_slice %arg10[%dma_wait3A_144, %dma_wait3A_145] : memref<10240x128xf32, #tpu.memory_space<vmem_shared>> -> memref<10240x128xf32, #tpu.memory_space<vmem_shared>>
            tpu.wait_indirect_dma semaphore(%run_scoped3A : memref<!tpu.dma_semaphore, #tpu.memory_space<semaphore_mem>>) src(%arg16 : memref<64x128xf32, #tpu.memory_space<vmem>>) dst(%dma_wait3A_146 : memref<10240x128xf32, #tpu.memory_space<vmem_shared>>)
            tpu.yield
          }) : () -> ()
          %add3A_126 = arith.constant 4 : i32
          %add3A_127 = arith.addi %add3A_119, %add3A_126 : i32
          %sub3A_128 = arith.constant 1 : i32
          %sub3A_129 = arith.subi %add3A_127, %sub3A_128 : i32
          %lt3A_130 = arith.constant 64 : i32
          %lt3A_131 = arith.cmpi slt, %sub3A_129, %lt3A_130 : i32
          %convert_element_type3A_132 = arith.extui %lt3A_131 : i1 to i32
          %cond3A_133 = arith.constant 0 : i32
          %cond3A_134 = arith.cmpi ne, %convert_element_type3A_132, %cond3A_133 : i32
          scf.if %cond3A_134 {
            %add3A_135 = arith.constant 4 : i32
            %add3A_136 = arith.addi %add3A_119, %add3A_135 : i32
            %sub3A_137 = arith.constant 1 : i32
            %sub3A_138 = arith.subi %add3A_136, %sub3A_137 : i32
            %dma_start3A_139 = arith.constant 0 : i32
            %dma_start3A_140 = tpu.memref_slice %arg11[%sub3A_138, %dma_start3A_139] : memref<64x64xi32, #tpu.memory_space<vmem>> -> memref<1x64xi32, #tpu.memory_space<vmem>>
            %dma_start3A_141 = tpu.memref_squeeze %dma_start3A_140 : memref<1x64xi32, #tpu.memory_space<vmem>> -> memref<64xi32, #tpu.memory_space<vmem>>
            %dma_start3A_142 = arith.constant 0 : i32
            %dma_start3A_143 = arith.constant 0 : i32
            %dma_start3A_144 = tpu.memref_slice %arg3[%dma_start3A_142, %dma_start3A_143] : memref<10240x128xf32, #tpu.memory_space<hbm>> -> memref<10240x128xf32, #tpu.memory_space<hbm>>
            tpu.enqueue_indirect_dma source(%dma_start3A_144 : memref<10240x128xf32, #tpu.memory_space<hbm>>) target(%arg15 : memref<64x128xf32, #tpu.memory_space<vmem>>) offsets(%dma_start3A_141 : memref<64xi32, #tpu.memory_space<vmem>>) semaphore(%arg19 : memref<!tpu.dma_semaphore, #tpu.memory_space<semaphore_mem>>)
          } else {
          }
        }
        %scan3A_66 = arith.constant 16 : i32
      }
      %scan3A_37 = arith.constant 5 : i32
    } else {
    }
    %barrier3A_21 = arith.constant 0 : index
    tpu.barrier barrier_id(%barrier3A_21)
    %eq3A_22 = arith.constant 0 : i32
    %eq3A_23 = arith.cmpi eq, %arg0, %eq3A_22 : i32
    %convert_element_type3A_24 = arith.extui %eq3A_23 : i1 to i32
    %cond3A_25 = arith.constant 0 : i32
    %cond3A_26 = arith.cmpi ne, %convert_element_type3A_24, %cond3A_25 : i32
    scf.if %cond3A_26 {
      %scan3A_32 = arith.constant 0 : i32
      %scan3A_33 = arith.constant 0 : i32
      %scan3A_34 = arith.constant 10 : i32
      %scan3A_35 = arith.addi %scan3A_33, %scan3A_34 : i32
      %scan3A_36 = arith.constant 1 : i32
      scf.for %scan3A_38 = %scan3A_33 to %scan3A_35 step %scan3A_36  : i32 {
        %mul3A_39 = arith.constant 64 : i32
        %mul3A_40 = arith.muli %scan3A_38, %mul3A_39 : i32
        %add3A = arith.addi %mul3A_5, %mul3A_40 : i32
        "tpu.region"() ({
          %run_scoped3A = tpu.sem_alloc : memref<!tpu.dma_semaphore, #tpu.memory_space<semaphore_mem>>
          %dma_start3A = arith.constant 0 : i32
          %dma_start3A_41 = tpu.memref_slice %arg8[%add3A, %dma_start3A] : memref<10240x128xf32, #tpu.memory_space<hbm>> -> memref<64x128xf32, #tpu.memory_space<hbm>>
          %dma_start3A_42 = arith.constant 0 : i32
          %dma_start3A_43 = tpu.memref_slice %arg10[%add3A, %dma_start3A_42] : memref<10240x128xf32, #tpu.memory_space<vmem_shared>> -> memref<64x128xf32, #tpu.memory_space<vmem_shared>>
          tpu.enqueue_dma source(%dma_start3A_43 : memref<64x128xf32, #tpu.memory_space<vmem_shared>>) target(%dma_start3A_41 : memref<64x128xf32, #tpu.memory_space<hbm>>) target_semaphore(%run_scoped3A : memref<!tpu.dma_semaphore, #tpu.memory_space<semaphore_mem>>)
          %dma_wait3A = arith.constant 0 : i32
          %dma_wait3A_44 = tpu.memref_slice %arg8[%add3A, %dma_wait3A] : memref<10240x128xf32, #tpu.memory_space<hbm>> -> memref<64x128xf32, #tpu.memory_space<hbm>>
          %dma_wait3A_45 = arith.constant 0 : i32
          %dma_wait3A_46 = tpu.memref_slice %arg10[%add3A, %dma_wait3A_45] : memref<10240x128xf32, #tpu.memory_space<vmem_shared>> -> memref<64x128xf32, #tpu.memory_space<vmem_shared>>
          tpu.wait_dma2 semaphore(%run_scoped3A : memref<!tpu.dma_semaphore, #tpu.memory_space<semaphore_mem>>) src(%dma_wait3A_46 : memref<64x128xf32, #tpu.memory_space<vmem_shared>>) dst(%dma_wait3A_44 : memref<64x128xf32, #tpu.memory_space<hbm>>)
          tpu.yield
        }) : () -> ()
      }
      %scan3A_37 = arith.constant 10 : i32
    } else {
    }
    %eq3A_27 = arith.constant 1 : i32
    %eq3A_28 = arith.cmpi eq, %arg0, %eq3A_27 : i32
    %convert_element_type3A_29 = arith.extui %eq3A_28 : i1 to i32
    %cond3A_30 = arith.constant 0 : i32
    %cond3A_31 = arith.cmpi ne, %convert_element_type3A_29, %cond3A_30 : i32
    scf.if %cond3A_31 {
      %scan3A_32 = arith.constant 0 : i32
      %scan3A_33 = arith.constant 0 : i32
      %scan3A_34 = arith.constant 10 : i32
      %scan3A_35 = arith.addi %scan3A_33, %scan3A_34 : i32
      %scan3A_36 = arith.constant 1 : i32
      scf.for %scan3A_38 = %scan3A_33 to %scan3A_35 step %scan3A_36  : i32 {
        %mul3A_39 = arith.constant 64 : i32
        %mul3A_40 = arith.muli %scan3A_38, %mul3A_39 : i32
        %add3A = arith.addi %mul3A_5, %mul3A_40 : i32
        "tpu.region"() ({
          %run_scoped3A = tpu.sem_alloc : memref<!tpu.dma_semaphore, #tpu.memory_space<semaphore_mem>>
          %dma_start3A = arith.constant 0 : i32
          %dma_start3A_41 = tpu.memref_slice %arg9[%add3A, %dma_start3A] : memref<10240x128xf32, #tpu.memory_space<hbm>> -> memref<64x128xf32, #tpu.memory_space<hbm>>
          %dma_start3A_42 = arith.constant 0 : i32
          %dma_start3A_43 = tpu.memref_slice %arg10[%add3A, %dma_start3A_42] : memref<10240x128xf32, #tpu.memory_space<vmem_shared>> -> memref<64x128xf32, #tpu.memory_space<vmem_shared>>
          tpu.enqueue_dma source(%dma_start3A_43 : memref<64x128xf32, #tpu.memory_space<vmem_shared>>) target(%dma_start3A_41 : memref<64x128xf32, #tpu.memory_space<hbm>>) target_semaphore(%run_scoped3A : memref<!tpu.dma_semaphore, #tpu.memory_space<semaphore_mem>>)
          %dma_wait3A = arith.constant 0 : i32
          %dma_wait3A_44 = tpu.memref_slice %arg9[%add3A, %dma_wait3A] : memref<10240x128xf32, #tpu.memory_space<hbm>> -> memref<64x128xf32, #tpu.memory_space<hbm>>
          %dma_wait3A_45 = arith.constant 0 : i32
          %dma_wait3A_46 = tpu.memref_slice %arg10[%add3A, %dma_wait3A_45] : memref<10240x128xf32, #tpu.memory_space<vmem_shared>> -> memref<64x128xf32, #tpu.memory_space<vmem_shared>>
          tpu.wait_dma2 semaphore(%run_scoped3A : memref<!tpu.dma_semaphore, #tpu.memory_space<semaphore_mem>>) src(%dma_wait3A_46 : memref<64x128xf32, #tpu.memory_space<vmem_shared>>) dst(%dma_wait3A_44 : memref<64x128xf32, #tpu.memory_space<hbm>>)
          tpu.yield
        }) : () -> ()
      }
      %scan3A_37 = arith.constant 10 : i32
    } else {
    }
    return
  }
}

module attributes {stable_mosaic.version = 14 : i64} {
  func.func @body(%arg0: memref<10000x128xf32, #tpu.memory_space<vmem>>, %arg1: memref<128x128xf32, #tpu.memory_space<vmem>>, %arg2: memref<128x128xf32, #tpu.memory_space<vmem>>, %arg3: memref<10240x128xf32, #tpu.memory_space<vmem>>, %arg4: memref<10240x128xf32, #tpu.memory_space<vmem>>) attributes {dimension_semantics = [], scalar_prefetch = 0 : i64, scratch_operands = 0 : i64, tpu.core_type = #tpu.core_type<tc>} {
    %get3A = arith.constant 0 : index
    %get3A_0 = arith.constant 0 : index
    %get3A_1 = vector.load %arg0[%get3A, %get3A_0] : memref<10000x128xf32, #tpu.memory_space<vmem>>, vector<10000x128xf32>
    %broadcast_in_dim3A = arith.constant 0.000000e+00 : f32
    %broadcast_in_dim3A_2 = vector.broadcast %broadcast_in_dim3A : f32 to vector<240x128xf32>
    %get3A_3 = arith.constant 0 : index
    %get3A_4 = arith.constant 0 : index
    %get3A_5 = vector.load %arg1[%get3A_3, %get3A_4] : memref<128x128xf32, #tpu.memory_space<vmem>>, vector<128x128xf32>
    %dot_general3A = arith.constant dense<0.000000e+00> : vector<10000x128xf32>
    %dot_general3A_6 = tpu.matmul %get3A_1, %get3A_5, %dot_general3A {dimension_numbers = #tpu.dot_dimension_numbers<[1], [0], [0], [1], [0, 0, 1, 1], [], []>, transpose_lhs_hint = false} : vector<10000x128xf32>, vector<128x128xf32>, vector<10000x128xf32> -> vector<10000x128xf32>
    %swap3A = arith.constant 0 : index
    %swap3A_7 = arith.constant 0 : index
    %swap3A_8 = vector.load %arg3[%swap3A, %swap3A_7] : memref<10240x128xf32, #tpu.memory_space<vmem>>, vector<10000x128xf32>
    tpu.vector_store %arg3[%swap3A, %swap3A_7], %dot_general3A_6 {strides = array<i32>} : memref<10240x128xf32, #tpu.memory_space<vmem>>, vector<10000x128xf32>,
    %get3A_9 = arith.constant 0 : index
    %get3A_10 = arith.constant 0 : index
    %get3A_11 = vector.load %arg2[%get3A_9, %get3A_10] : memref<128x128xf32, #tpu.memory_space<vmem>>, vector<128x128xf32>
    %dot_general3A_12 = arith.constant dense<0.000000e+00> : vector<10000x128xf32>
    %dot_general3A_13 = tpu.matmul %get3A_1, %get3A_11, %dot_general3A_12 {dimension_numbers = #tpu.dot_dimension_numbers<[1], [0], [0], [1], [0, 0, 1, 1], [], []>, transpose_lhs_hint = false} : vector<10000x128xf32>, vector<128x128xf32>, vector<10000x128xf32> -> vector<10000x128xf32>
    %swap3A_14 = arith.constant 0 : index
    %swap3A_15 = arith.constant 0 : index
    %swap3A_16 = vector.load %arg4[%swap3A_14, %swap3A_15] : memref<10240x128xf32, #tpu.memory_space<vmem>>, vector<10000x128xf32>
    tpu.vector_store %arg4[%swap3A_14, %swap3A_15], %dot_general3A_13 {strides = array<i32>} : memref<10240x128xf32, #tpu.memory_space<vmem>>, vector<10000x128xf32>,
    %swap3A_17 = arith.constant 10000 : index
    %swap3A_18 = arith.constant 0 : index
    %swap3A_19 = vector.load %arg3[%swap3A_17, %swap3A_18] : memref<10240x128xf32, #tpu.memory_space<vmem>>, vector<240x128xf32>
    tpu.vector_store %arg3[%swap3A_17, %swap3A_18], %broadcast_in_dim3A_2 {strides = array<i32>} : memref<10240x128xf32, #tpu.memory_space<vmem>>, vector<240x128xf32>,
    %swap3A_20 = arith.constant 10000 : index
    %swap3A_21 = arith.constant 0 : index
    %swap3A_22 = vector.load %arg4[%swap3A_20, %swap3A_21] : memref<10240x128xf32, #tpu.memory_space<vmem>>, vector<240x128xf32>
    tpu.vector_store %arg4[%swap3A_20, %swap3A_21], %broadcast_in_dim3A_2 {strides = array<i32>} : memref<10240x128xf32, #tpu.memory_space<vmem>>, vector<240x128xf32>,
    return
  }
}

module attributes {stable_mosaic.version = 14 : i64} {
  func.func @body(%arg0: memref<10240x128xf32, #tpu.memory_space<vmem>>, %arg1: memref<10240x128xf32, #tpu.memory_space<vmem>>, %arg2: memref<2x128xf32, #tpu.memory_space<vmem>>, %arg3: memref<1x1xf32, #tpu.memory_space<vmem>>, %arg4: memref<2x10240xf32, #tpu.memory_space<vmem>>, %arg5: memref<2x10240xf32, #tpu.memory_space<vmem>>) attributes {dimension_semantics = [], scalar_prefetch = 0 : i64, scratch_operands = 0 : i64, tpu.core_type = #tpu.core_type<tc>} {
    %get3A = arith.constant 0 : index
    %get3A_0 = arith.constant 0 : index
    %get3A_1 = vector.load %arg2[%get3A, %get3A_0] : memref<2x128xf32, #tpu.memory_space<vmem>>, vector<2x128xf32>
    %iota3A = tpu.iota {dimensions = array<i32: 0>} : vector<2x10240xi32>
    %eq3A = arith.constant 0 : i32
    %eq3A_2 = vector.broadcast %eq3A : i32 to vector<2x10240xi32>
    %eq3A_3 = arith.cmpi eq, %iota3A, %eq3A_2 : vector<2x10240xi32>
    %get3A_4 = arith.constant 0 : index
    %get3A_5 = arith.constant 0 : index
    %get3A_6 = vector.load %arg3[%get3A_4, %get3A_5] : memref<1x1xf32, #tpu.memory_space<vmem>>, vector<1x1xf32>
    %get3A_7 = vector.extract %get3A_6[0, 0] : f32 from vector<1x1xf32>
    %jit3A = arith.constant 0.000000e+00 : f32
    %broadcast_in_dim3A = vector.broadcast %get3A_7 : f32 to vector<2x10240xf32>
    %broadcast_in_dim3A_8 = vector.broadcast %jit3A : f32 to vector<2x10240xf32>
    %select_n3A = arith.select %eq3A_3, %broadcast_in_dim3A, %broadcast_in_dim3A_8 : vector<2x10240xi1>, vector<2x10240xf32>
    %get3A_9 = arith.constant 0 : index
    %get3A_10 = arith.constant 0 : index
    %get3A_11 = vector.load %arg0[%get3A_9, %get3A_10] : memref<10240x128xf32, #tpu.memory_space<vmem>>, vector<10240x128xf32>
    %max3A = arith.constant 0.000000e+00 : f32
    %max3A_12 = vector.broadcast %max3A : f32 to vector<10240x128xf32>
    %max3A_13 = arith.maximumf %get3A_11, %max3A_12 : vector<10240x128xf32>
    %get3A_14 = arith.constant 0 : index
    %get3A_15 = arith.constant 0 : index
    %get3A_16 = vector.load %arg1[%get3A_14, %get3A_15] : memref<10240x128xf32, #tpu.memory_space<vmem>>, vector<10240x128xf32>
    %max3A_17 = arith.constant 0.000000e+00 : f32
    %max3A_18 = vector.broadcast %max3A_17 : f32 to vector<10240x128xf32>
    %max3A_19 = arith.maximumf %get3A_16, %max3A_18 : vector<10240x128xf32>
    %dot_general3A = arith.constant dense<0.000000e+00> : vector<2x10240xf32>
    %dot_general3A_20 = tpu.matmul %get3A_1, %max3A_13, %dot_general3A {dimension_numbers = #tpu.dot_dimension_numbers<[1], [1], [0], [0], [0, 0, 1, 0], [], []>, transpose_lhs_hint = false} : vector<2x128xf32>, vector<10240x128xf32>, vector<2x10240xf32> -> vector<2x10240xf32>
    %add3A = arith.addf %dot_general3A_20, %select_n3A : vector<2x10240xf32>
    %swap3A = arith.constant 0 : index
    %swap3A_21 = arith.constant 0 : index
    %swap3A_22 = vector.load %arg4[%swap3A, %swap3A_21] : memref<2x10240xf32, #tpu.memory_space<vmem>>, vector<2x10240xf32>
    tpu.vector_store %arg4[%swap3A, %swap3A_21], %add3A {strides = array<i32>} : memref<2x10240xf32, #tpu.memory_space<vmem>>, vector<2x10240xf32>,
    %dot_general3A_23 = arith.constant dense<0.000000e+00> : vector<2x10240xf32>
    %dot_general3A_24 = tpu.matmul %get3A_1, %max3A_19, %dot_general3A_23 {dimension_numbers = #tpu.dot_dimension_numbers<[1], [1], [0], [0], [0, 0, 1, 0], [], []>, transpose_lhs_hint = false} : vector<2x128xf32>, vector<10240x128xf32>, vector<2x10240xf32> -> vector<2x10240xf32>
    %add3A_25 = arith.addf %dot_general3A_24, %select_n3A : vector<2x10240xf32>
    %swap3A_26 = arith.constant 0 : index
    %swap3A_27 = arith.constant 0 : index
    %swap3A_28 = vector.load %arg5[%swap3A_26, %swap3A_27] : memref<2x10240xf32, #tpu.memory_space<vmem>>, vector<2x10240xf32>
    tpu.vector_store %arg5[%swap3A_26, %swap3A_27], %add3A_25 {strides = array<i32>} : memref<2x10240xf32, #tpu.memory_space<vmem>>, vector<2x10240xf32>,
    return
  }
}

</mosaic_0001>

<sc_bundles>
// kernel: kernel.6.cloned.1.call-start
scs
__scs_entry_jumppad:
0x0: {  	(pc) =	sbr.rel $0x88, $3  }
0x1: {  	(tag) =	ssettag $0x0;
	lr =	simm.s32 $0x1  }
0x2: {  	[smem:$0x3F98] =	sst lr;
	_ =	strace $0xD0000000  }
0x3: {  	_ = 	snop  }
0x4: {  	_ = 	snop  }
0x5: {  	_ = 	snop  }
0x6: {  	_ = 	snop  }
0x7: {  	_ = 	snop  }
__scs_overlays_trampoline_lowered:
0x8: {  	[smem:$0x3FA7] =	sst s0  }
0x9: {  	[smem:$0x3FA8] =	sst s1  }
0xa: {  	[smem:$0x3FA9] =	sst s2  }
0xb: {  	[smem:$0x3FAA] =	sst s3  }
0xc: {  	[smem:$0x3FAB] =	sst s4  }
0xd: {  	[smem:$0x3FAC] =	sst s5  }
0xe: {  	[smem:$0x3FAD] =	sst s6  }
0xf: {  	[smem:$0x3FAE] =	sst s7  }
0x10: {  	[smem:$0x3FAF] =	sst s8  }
0x11: {  	[smem:$0x3FB0] =	sst s9;
	s0 =	simm.s32 @!p0 $0x0  }
0x12: {  	s1 =	sld [smem:$0x3F96];
	s0 =	simm.s32 @p0 $0x1  }
0x13: {  	[smem:$0x3FB1] =	sst s0;
	s0 =	simm.s32 @!p1 $0x0  }
0x14: {  	s2 =	sld [smem:$0x3F95];
	s0 =	simm.s32 @p1 $0x1  }
0x15: {  	[smem:$0x3FB2] =	sst s0;
	s0 =	simm.s32 @!p2 $0x0  }
0x16: {  	s3 =	sld [smem:$0x3FDB];
	s0 =	simm.s32 @p2 $0x1  }
0x17: {  	s4 =	simm.s32 $0x1BF5;
	[smem:$0x3FB4] =	sst s0  }
0x18: {  	s0 =	sld [smem:$0x3F97];
	_ =	swait.ge [sflag:s4], $0x0  }
0x19: {  	s7 =	sld [smem:$0x3F98]  }
0x1a: {  	s8 =	sadd.s32 $0xFFFFE003, lr  }
0x1b: {  	s9 =	sadd.s32 $0xFFFFFEF7, lr;
	s5 =	simm.s32 $0xFFFFFFFF;
	p2 =	slt.u32 s8, $0xFFFFF086  }
0x1c: {  	p1 =	slt.u32 s9, $0xF7A;
	s5 =	simm.s32 @!p2 $0x0  }
0x1d: {  	s5 =	simm.s32 @p1 $0x1;
	p0 =	seq.s32 s7, s2  }
0x1e: {  	s7 =	smul.u32 @!p0 $0xF7A, s2;
	p2 =	seq.s32 @!p0 s5, $0x0  }
0x1f: {  	s9 =	smul.u32 $0xF7A, s1;
	s8 =	simm.s32 @!p0 $0x1BF5;
	p2 =	por !p2, p0  }
0x20: {  	[sflag:s8] =	ssyncset.s32 @!p0 $0xFFFFF086;
	s6 =	sadd.s32 @!p0 s3, s7;
	s7 =	simm.s32 @!p0 $0x108  }
0x21: {  	s3 =	sadd.s32 s3, s9;
	s6 =	sadd.s32 @!p0 $0x88, s6;
	s7 =	simm.s32 @p2 $0x1082  }
0x22: {  	[simem:s7], [sflag:s8] =	dma.local @!p0 [hbm:s6], $0xF7A  }
0x23: {  	s9 =	sor.u32 $0xD0000000, s2;
	s6 =	simm.s32 $0x108;
	_ =	swait.ge @!p0 [sflag:s8], $0x0  }
0x24: {  	s3 =	sadd.s32 $0x88, s3;
	s6 =	simm.s32 @!p1 $0x1082;
	[sflag:s4] =	ssyncset.s32 $0xFFFFF086  }
0x25: {  	[simem:s6], [sflag:s4] =	dma.local [hbm:s3], $0xF7A  }
0x26: {  	[smem:$0x3F98] =	sst s1;
	(tag) =	ssettag s2;
	_ =	strace s9  }
0x27: {  	s1 =	sld [smem:$0x3FA8]  }
0x28: {  	s2 =	sld [smem:$0x3FA9]  }
0x29: {  	s4 =	sld [smem:$0x3FAB]  }
0x2a: {  	p0 =	seq.s32 s5, $0x0;
	s5 =	sld [smem:$0x3FAC]  }
0x2b: {  	s6 =	sld [smem:$0x3FAD]  }
0x2c: {  	s7 =	sld [smem:$0x3FAE]  }
0x2d: {  	s3 =	simm.s32 $0x108;
	s8 =	sld [smem:$0x3FAF]  }
0x2e: {  	s3 =	simm.s32 @!p0 $0x1082;
	s9 =	sld [smem:$0x3FB0]  }
0x2f: {  	lr =	sadd.s32 s0, s3;
	s0 =	sld [smem:$0x3FA7]  }
0x30: {  	s3 =	sld [smem:$0x3FAA]  }
0x31: {  	[smem:$0x3FB3] =	sst s10  }
0x32: {  	s10 =	sld [smem:$0x3FB1];
	_ =	sdelay $0x3  }
0x33: {  	p0 =	seq.s32 s10, $0x1;
	s10 =	sld [smem:$0x3FB3];
	_ =	sdelay $0x3  }
0x34: {  	[smem:$0x3FB3] =	sst s10  }
0x35: {  	s10 =	sld [smem:$0x3FB2];
	_ =	sdelay $0x3  }
0x36: {  	p1 =	seq.s32 s10, $0x1;
	s10 =	sld [smem:$0x3FB3];
	_ =	sdelay $0x3  }
0x37: {  	[smem:$0x3FB3] =	sst s10  }
0x38: {  	s10 =	sld [smem:$0x3FB4]  }
0x39: {  	_ = 	snop;
	(pc) =	sbr.ind lr, $3  }
0x3a: {  	_ = 	snop  }
0x3b: {  	_ = 	snop  }
0x3c: {  	p2 =	seq.s32 s10, $0x1;
	s10 =	sld [smem:$0x3FB3]  }
0x3d: {  	_ =	shalt  }
0x3e: {  	_ =	shalt  }
0x3f: {  	_ =	shalt  }
0x40: {  	_ =	shalt  }
0x41: {  	_ =	shalt  }
0x42: {  	_ =	shalt  }
0x43: {  	_ =	shalt  }
0x44: {  	_ =	shalt  }
0x45: {  	_ =	shalt  }
0x46: {  	_ =	shalt  }
0x47: {  	_ =	shalt  }
0x48: {  	_ =	shalt  }
0x49: {  	_ =	shalt  }
0x4a: {  	_ =	shalt  }
0x4b: {  	_ =	shalt  }
0x4c: {  	_ =	shalt  }
0x4d: {  	_ =	shalt  }
0x4e: {  	_ =	shalt  }
0x4f: {  	_ =	shalt  }
0x50: {  	_ =	shalt  }
0x51: {  	_ =	shalt  }
0x52: {  	_ =	shalt  }
0x53: {  	_ =	shalt  }
0x54: {  	_ =	shalt  }
0x55: {  	_ =	shalt  }
0x56: {  	_ =	shalt  }
0x57: {  	_ =	shalt  }
0x58: {  	_ =	shalt  }
0x59: {  	_ =	shalt  }
0x5a: {  	_ =	shalt  }
0x5b: {  	_ =	shalt  }
0x5c: {  	_ =	shalt  }
0x5d: {  	_ =	shalt  }
0x5e: {  	_ =	shalt  }
0x5f: {  	_ =	shalt  }
0x60: {  	_ =	shalt  }
0x61: {  	_ =	shalt  }
0x62: {  	_ =	shalt  }
0x63: {  	_ =	shalt  }
0x64: {  	_ =	shalt  }
0x65: {  	_ =	shalt  }
0x66: {  	_ =	shalt  }
0x67: {  	_ =	shalt  }
0x68: {  	_ =	shalt  }
0x69: {  	_ =	shalt  }
0x6a: {  	_ =	shalt  }
0x6b: {  	_ =	shalt  }
0x6c: {  	_ =	shalt  }
0x6d: {  	_ =	shalt  }
0x6e: {  	_ =	shalt  }
0x6f: {  	_ =	shalt  }
0x70: {  	_ =	shalt  }
0x71: {  	_ =	shalt  }
0x72: {  	_ =	shalt  }
0x73: {  	_ =	shalt  }
0x74: {  	_ =	shalt  }
0x75: {  	_ =	shalt  }
0x76: {  	_ =	shalt  }
0x77: {  	_ =	shalt  }
0x78: {  	_ =	shalt  }
0x79: {  	_ =	shalt  }
0x7a: {  	_ =	shalt  }
0x7b: {  	_ =	shalt  }
0x7c: {  	_ =	shalt  }
0x7d: {  	_ =	shalt  }
0x7e: {  	_ =	shalt  }
0x7f: {  	_ =	shalt  }
0x80: {  	_ =	shalt  }
0x81: {  	_ =	shalt  }
0x82: {  	_ =	shalt  }
0x83: {  	_ =	shalt  }
0x84: {  	_ =	shalt  }
0x85: {  	_ =	shalt  }
0x86: {  	_ =	shalt  }
0x87: {  	_ =	shalt  }
.Lfunc_end0:
.L_simem_size_0:
called_computation_lowered:
.L_overlay_start_0:
0x88: {  	s2 =	sld [smem:$0x3FD9]  }
0x89: {  	s3 =	sld [smem:$0x3FFE];
	_ =	sdelay $0x1  }
0x8a: {  	s1 =	srdreg.scid  }
0x8b: {  	s0 =	sand.u32 $0x1, s1  }
0x8c: {  	s16 =	sshll.u32 s0, $0xA;
	s2 =	sadd.s32 s3, s2  }
0x8d: {  	s2 =	sadd.s32 s2, s16  }
0x8e: {  	[smem:$0x3FBF] =	sst s2  }
0x8f: {  	_ = 	snop  }
0x90: {  	(tm) =	ssettm $0x1  }
0x91: {  	s17 =	sld [smem:$0x3FFB];
	_ =	sdelay $0x3  }
0x92: {  	_ =	strace s17  }
0x93: {  	s2 =	sld [smem:$0x3FFC];
	_ =	sdelay $0x3  }
0x94: {  	_ =	strace s2  }
0x95: {  	s2 =	sld [smem:$0x3FFD];
	_ =	sdelay $0x3  }
0x96: {  	_ =	strace s2  }
0x97: {  	_ =	strace $0x8FFFFFFF  }
0x98: {  	s18 =	sld [smem:$0x3FDB];
	_ =	sdelay $0x1  }
0x99: {  	s19 =	simm.s32 $_scs_section_size  }
0x9a: {  	s4 =	simm.s32 $_size__tile_overlayer_lowered;
	s5 =	simm.s32 $_tile_overlayer_lowered  }
0x9b: {  	s22 =	simm.s32 $0x1BFF;
	s21 =	sshll.u32 s5, $0x1;
	s2 =	sadd.s32 s19, s18  }
0x9c: {  	s6 =	simm.s32 $0x0;
	s20 =	sshll.u32 s4, $0x1;
	s4 =	sadd.s32 s21, s2  }
0x9d: {  	[timem:s6], [sflag:s22] =	dma.local [hbm:s4], s20  }
0x9e: {  	_ =	swait.ge [sflag:s22], s20  }
0x9f: {  	s3 =	ssub.s32 $0x0, s20;
	[sflag:s22] =	ssyncset.done $0x0  }
0xa0: {  	[sflag:s22] =	ssyncadd.s32 s3;
	_ =	sdelay $0x1  }
0xa1: {  	s23 =	simm.s32 $0x1B8B  }
0xa2: {  	_ =	swait.ge [sflag:s23], $0x1  }
0xa3: {  	[sflag:s23] =	ssyncset.done $0x0  }
0xa4: {  	s25 =	simm.s32 $0x1B8E;
	s24 =	sld [smem:$0x3FFE];
	[sflag:s23] =	ssyncadd.s32 $0xFFFFFFFF  }
0xa5: {  	s26 =	simm.s32 $execute0_lowered;
	[smem:$0x3FD2] =	sst s25  }
0xa6: {  	s4 =	sshll.u32 s26, $0x1;
	_ =	strace $0x80000046;
	[dreg:$0x1] =	wrdreg $0xFFFFFFFF  }
0xa7: {  	s28 =	simm.s32 $_size_execute0_lowered;
	s2 =	sadd.s32 s2, s4;
	[dreg:$0x0] =	wrdreg $0x0  }
0xa8: {  	s4 =	sshll.u32 s28, $0x1;
	[dreg:$0x2] =	wrdreg s2  }
0xa9: {  	[dreg:$0x3] =	wrdreg s4  }
0xaa: {  	[dreg:$0x4] =	wrdreg $0xC0  }
0xab: {  	_ =	task [dreg:s6], $0x5FFFF  }
0xac: {  	[dreg:$0x1] =	wrdreg $0xFFFFFFFF  }
0xad: {  	[dreg:$0x0] =	wrdreg $0x60  }
0xae: {  	[dreg:$0x2] =	wrdreg s24  }
0xaf: {  	[dreg:$0x3] =	wrdreg $0x0  }
0xb0: {  	[dreg:$0x4] =	wrdreg $0x9  }
0xb1: {  	_ =	task.clear_ibuf [dreg:s6], $0x5FFFF;
	_ =	strace $0x90000046  }
0xb2: {  	s29 =	simm.s32 $0x9;
	_ =	strace $0x80000048  }
0xb3: {  	_ =	swait.ge [sflag:s29], $0x1  }
0xb4: {  	[sflag:s29] =	ssyncadd.s32 $0xFFFFFFFF  }
0xb5: {  	_ =	strace $0x90000048  }
0xb6: {  	_ =	sfence  }
0xb7: {  	s30 =	sld [smem:$0x0];
	_ =	sdelay $0x2  }
0xb8: {  	s31 =	sshll.u32 s1, $0xD;
	s1 =	sshrl.u32 s1, $0x2  }
0xb9: {  	s3 =	sand.u32 $0x4000, s31;
	s1 =	sadd.s32 s1, s30  }
0xba: {  	s0 =	sor.u32 s3, s0;
	s1 =	sshll.u32 s1, $0x11  }
0xbb: {  	s0 =	sor.u32 s1, s0  }
0xbc: {  	s0 =	sadd.s32 $0x8F2B, s0  }
0xbd: {  	[sflag:s0] =	ssyncadd.remote.s32 $0x1  }
0xbe: {  	_ =	sfence.sel $0xFFFF  }
0xbf: {  	[dreg:$0x0] =	wrdreg $0xFFFFFFFF;
	(pc) =	sbr.abs _section_cstart, $3  }
0xc0: {  	[dreg:$0x1] =	wrdreg $0xFFFFFFFF  }
0xc1: {  	_ =	task.clear_ibuf [dreg:s6], $0x2FFFF;
	_ =	strace $0x9FFFFFFF  }
0xc2: {  	(tm) =	ssettm $0x7FFFFFFF  }
0xc3: {  	_ =	shalt  }
tec
execute0_lowered:
.L_overlay_start_1:
0x0: {  	(tag) =	ssettag $0x1  }
0x1: {  	s0 =	rddreg [dreg:$0x0]  }
0x2: {  	s1 =	rddreg [dreg:$0x1];
	s2 =	simm.s32 $0x0  }
0x3: {  	s6 =	stileid.u32;
	[smem:$0x7FF] =	sst s2  }
0x4: {  	s3 =	sadd.s32 $0x50C00, s0;
	s5 =	sadd.s32 $0x78C00, s0;
	s15 =	sadd.s32 $0xC00, s0  }
0x5: {  	s7 =	sadd.s32 $0x14C00, s0;
	s8 =	sadd.s32 $0x28C00, s0;
	s10 =	sadd.s32 $0xA0C00, s0  }
0x6: {  	s19 =	smul.u32 $0x280, s6;
	_ =	strace $0x80000047;
	[dreg:$0x3] =	wrdreg s15  }
0x7: {  	s9 =	sadd.s32 $0x3CC00, s0;
	s0 =	sadd.s32 $0xC8C00, s0;
	[dreg:$0x4] =	wrdreg s10  }
0x8: {  	[dreg:$0x5] =	wrdreg s0;
	s22 =	sadd.s32 $0x240, s19  }
0x9: {  	s16 =	srdreg.scid;
	s11 =	sadd.s32 $0x200, s19;
	[dreg:$0xa] =	wrdreg s22  }
0xa: {  	s2 =	sand.u32 $0x1, s16;
	s12 =	sadd.s32 $0x1C0, s19;
	[dreg:$0xb] =	wrdreg s11  }
0xb: {  	s4 =	smul.u32 $0x50000, s6;
	s14 =	sadd.s32 $0x180, s19;
	[dreg:$0xc] =	wrdreg s12  }
0xc: {  	s17 =	ssub.s32 $0x2, s2;
	s15 =	sadd.s32 $0x140, s19;
	[dreg:$0xd] =	wrdreg s14  }
0xd: {  	p0 =	sne.s32 s2, $0x0;
	s16 =	sadd.s32 $0x100, s19;
	[dreg:$0xe] =	wrdreg s15  }
0xe: {  	s18 =	sshrl.u32 s17, $0x1;
	s2 =	sadd.s32 $0x80, s19;
	[dreg:$0xf] =	wrdreg s16  }
0xf: {  	s4 =	sshrl.u32 s4, $0x2;
	s10 =	sor.u32 $0x40, s19;
	[dreg:$0x11] =	wrdreg s2  }
0x10: {  	s0 =	ssub.s32 s17, s18;
	s4 =	sadd.s32 s4, s1;
	[dreg:$0x12] =	wrdreg s10  }
0x11: {  	s17 =	sadd.s32 $0xC0, s19;
	s19 =	sshll.u32 s11, $0x4;
	[dreg:$0x6] =	wrdreg s4  }
0x12: {  	[dreg:$0x1b] =	wrdreg s19  }
0x13: {  	s0 =	smax.u32 s0, $0x1;
	[dreg:$0x10] =	wrdreg s17  }
0x14: {  	s20 =	sadd.s32 $0x2000, s4;
	[dreg:$0x7] =	wrdreg s0  }
0x15: {  	s21 =	sadd.s32 $0x4000, s4;
	[dreg:$0x8] =	wrdreg s20  }
0x16: {  	s18 =	sadd.s32 $0x6000, s4;
	[dreg:$0x9] =	wrdreg s21  }
0x17: {  	s23 =	sadd.s32 $0x8000, s4;
	[dreg:$0x13] =	wrdreg s18  }
0x18: {  	s31 =	simm.s32 $0x18000;
	s24 =	sadd.s32 $0xA000, s4;
	[dreg:$0x14] =	wrdreg s23  }
0x19: {  	s28 =	simm.s32 $0x17F00;
	s25 =	sadd.s32 $0xC000, s4;
	[dreg:$0x15] =	wrdreg s24  }
0x1a: {  	s30 =	simm.s32 $0x0;
	s26 =	sadd.s32 $0xE000, s4;
	[dreg:$0x16] =	wrdreg s25  }
0x1b: {  	s13 =	smul.u32 $0xA000, s6;
	s29 =	sadd.s32 $0x10000, s4;
	[dreg:$0x17] =	wrdreg s26  }
0x1c: {  	s11 =	simm.s32 $0x40;
	s4 =	sadd.s32 $0x12000, s4;
	[dreg:$0x18] =	wrdreg s29  }
0x1d: {  	s19 =	simm.s32 $0x14100;
	[dreg:$0x19] =	wrdreg s4;
	s0 =	sshll.u32 s22, $0x4  }
0x1e: {  	s20 =	sshll.u32 s12, $0x4;
	s21 =	sshll.u32 s14, $0x4;
	s22 =	sshll.u32 s15, $0x4  }
0x1f: {  	s23 =	sshll.u32 s16, $0x4;
	s24 =	sshll.u32 s17, $0x4;
	[dreg:$0x1a] =	wrdreg s0  }
0x20: {  	s25 =	sshll.u32 s2, $0x4;
	s26 =	sshll.u32 s10, $0x4;
	[dreg:$0x1c] =	wrdreg s20  }
0x21: {  	s29 =	smul.u32 $0x2800, s6;
	s10 =	simm.s32 $0x14000;
	[dreg:$0x1d] =	wrdreg s21  }
0x22: {  	s17 =	simm.s32 $0x16000;
	s18 =	simm.s32 $0x14080;
	[dreg:$0x1e] =	wrdreg s22  }
0x23: {  	s4 =	simm.s32 $0x1A000;
	s2 =	simm.s32 $0x1C000;
	[dreg:$0x1f] =	wrdreg s23  }
.Ltmp0:
0x24: {  	s14 =	simm.s32 $0x1E000;
	[smem:$0x7FA] =	sst s24;
	(pc) =	sbr.rel .LBB2_1-.Ltmp0, $4  }
0x25: {  	s15 =	simm.s32 $0x3;
	s16 =	simm.s32 $0x17E00;
	[smem:$0x7FB] =	sst s25  }
0x26: {  	[smem:$0x7FC] =	sst s26;
	s0 =	simm.s32 $0x5;
	s20 =	simm.s32 $0x1  }
0x27: {  	s21 =	simm.s32 $0x2;
	s22 =	simm.s32 $0x4;
	s23 =	simm.s32 $0x15F80  }
0x28: {  	v0 =	vimm.f32 $0.0e+00;
	s26 =	simm.s32 $0x17E80;
	s24 =	simm.s32 $0x17F80;
	[smem:$0x7FD] =	sst s29  }
.LBB2_12:
0x29: {  	s6 =	sld [smem:$0x7FD]  }
0x2a: {  	s25 =	stileid.u32;
	[bflag:$0x0] =	sbarrier.arrive $0xFFFF  }
0x2b: {  	s25 =	sshll.u32 s25, $0x6;
	s29 =	rddreg [dreg:$0x6]  }
0x2c: {  	s25 =	sor.u32 $0x1C05, s25;
	s29 =	sshrl.u32 s29, $0x3;
	s6 =	sadd.s32 s12, s6  }
0x2d: {  	[hbm:s6], [sflag:s25] =	dma.local [spmem:s29], $0x400  }
0x2e: {  	s6 =	rddreg [dreg:$0x12];
	_ =	swait.ge [sflag:s0], $0x400  }
0x2f: {  	s29 =	sld [smem:$0x7FC]  }
0x30: {  	s6 =	sshll.u32 s6, $0x7  }
0x31: {  	[sflag:s0] =	ssyncset.done $0x0;
	s6 =	sadd.s32 s6, s1  }
0x32: {  	[sflag:s0] =	ssyncadd.s32 $0xFFFFFC00;
	s6 =	sshrl.u32 s6, $0x3;
	s29 =	sadd.s32 s12, s29  }
0x33: {  	[hbm:s29], [sflag:s25] =	dma.local [spmem:s6], $0x400  }
0x34: {  	s6 =	rddreg [dreg:$0x11];
	_ =	swait.ge [sflag:s0], $0x400  }
0x35: {  	s29 =	sld [smem:$0x7FB]  }
0x36: {  	s6 =	sshll.u32 s6, $0x7  }
0x37: {  	[sflag:s0] =	ssyncset.done $0x0;
	s6 =	sadd.s32 s6, s1  }
0x38: {  	[sflag:s0] =	ssyncadd.s32 $0xFFFFFC00;
	s6 =	sshrl.u32 s6, $0x3;
	s29 =	sadd.s32 s12, s29  }
0x39: {  	[hbm:s29], [sflag:s25] =	dma.local [spmem:s6], $0x400  }
0x3a: {  	s6 =	rddreg [dreg:$0x10];
	_ =	swait.ge [sflag:s0], $0x400  }
0x3b: {  	s29 =	sld [smem:$0x7FA]  }
0x3c: {  	s6 =	sshll.u32 s6, $0x7  }
0x3d: {  	[sflag:s0] =	ssyncset.done $0x0;
	s6 =	sadd.s32 s6, s1  }
0x3e: {  	[sflag:s0] =	ssyncadd.s32 $0xFFFFFC00;
	s6 =	sshrl.u32 s6, $0x3;
	s29 =	sadd.s32 s12, s29  }
0x3f: {  	[hbm:s29], [sflag:s25] =	dma.local [spmem:s6], $0x400  }
0x40: {  	s6 =	rddreg [dreg:$0xf]  }
0x41: {  	_ =	swait.ge [sflag:s0], $0x400;
	s6 =	sshll.u32 s6, $0x7  }
0x42: {  	[sflag:s0] =	ssyncset.done $0x0;
	s29 =	rddreg [dreg:$0x1f];
	s6 =	sadd.s32 s6, s1  }
0x43: {  	s29 =	sadd.s32 s12, s29;
	[sflag:s0] =	ssyncadd.s32 $0xFFFFFC00;
	s6 =	sshrl.u32 s6, $0x3  }
0x44: {  	[hbm:s29], [sflag:s25] =	dma.local [spmem:s6], $0x400  }
0x45: {  	s6 =	rddreg [dreg:$0xe]  }
0x46: {  	_ =	swait.ge [sflag:s0], $0x400;
	s6 =	sshll.u32 s6, $0x7  }
0x47: {  	[sflag:s0] =	ssyncset.done $0x0;
	s29 =	rddreg [dreg:$0x1e];
	s6 =	sadd.s32 s6, s1  }
0x48: {  	s29 =	sadd.s32 s12, s29;
	[sflag:s0] =	ssyncadd.s32 $0xFFFFFC00;
	s6 =	sshrl.u32 s6, $0x3  }
0x49: {  	[hbm:s29], [sflag:s25] =	dma.local [spmem:s6], $0x400  }
0x4a: {  	s6 =	rddreg [dreg:$0xd]  }
0x4b: {  	_ =	swait.ge [sflag:s0], $0x400;
	s6 =	sshll.u32 s6, $0x7  }
0x4c: {  	[sflag:s0] =	ssyncset.done $0x0;
	s29 =	rddreg [dreg:$0x1d];
	s6 =	sadd.s32 s6, s1  }
0x4d: {  	s29 =	sadd.s32 s12, s29;
	[sflag:s0] =	ssyncadd.s32 $0xFFFFFC00;
	s6 =	sshrl.u32 s6, $0x3  }
0x4e: {  	[hbm:s29], [sflag:s25] =	dma.local [spmem:s6], $0x400  }
0x4f: {  	s6 =	rddreg [dreg:$0xc]  }
0x50: {  	_ =	swait.ge [sflag:s0], $0x400;
	s6 =	sshll.u32 s6, $0x7  }
0x51: {  	[sflag:s0] =	ssyncset.done $0x0;
	s29 =	rddreg [dreg:$0x1c];
	s6 =	sadd.s32 s6, s1  }
0x52: {  	s29 =	sadd.s32 s12, s29;
	[sflag:s0] =	ssyncadd.s32 $0xFFFFFC00;
	s6 =	sshrl.u32 s6, $0x3  }
0x53: {  	[hbm:s29], [sflag:s25] =	dma.local [spmem:s6], $0x400  }
0x54: {  	s6 =	rddreg [dreg:$0xb]  }
0x55: {  	_ =	swait.ge [sflag:s0], $0x400;
	s6 =	sshll.u32 s6, $0x7  }
0x56: {  	[sflag:s0] =	ssyncset.done $0x0;
	s29 =	rddreg [dreg:$0x1b];
	s6 =	sadd.s32 s6, s1  }
0x57: {  	s29 =	sadd.s32 s12, s29;
	[sflag:s0] =	ssyncadd.s32 $0xFFFFFC00;
	s6 =	sshrl.u32 s6, $0x3  }
0x58: {  	[hbm:s29], [sflag:s25] =	dma.local [spmem:s6], $0x400  }
0x59: {  	s6 =	rddreg [dreg:$0xa]  }
0x5a: {  	_ =	swait.ge [sflag:s0], $0x400;
	s6 =	sshll.u32 s6, $0x7  }
0x5b: {  	[sflag:s0] =	ssyncset.done $0x0;
	s29 =	rddreg [dreg:$0x1a];
	s6 =	sadd.s32 s6, s1  }
0x5c: {  	s29 =	sadd.s32 s12, s29;
	[sflag:s0] =	ssyncadd.s32 $0xFFFFFC00;
	s6 =	sshrl.u32 s6, $0x3  }
0x5d: {  	[hbm:s29], [sflag:s25] =	dma.local [spmem:s6], $0x400  }
0x5e: {  	_ =	swait.ge [sflag:s0], $0x400  }
0x5f: {  	s30 =	sadd.s32 $0x1, s30;
	s29 =	rddreg [dreg:$0x7]  }
0x60: {  	p1 =	sne.s32 s30, s29  }
.Ltmp1:
0x61: {  	_ = 	snop;
	(pc) =	sbr.rel @!p1 .LBB2_13-.Ltmp1, $3  }
0x62: {  	_ =	sdelay $0x1  }
0x63: {  	[sflag:s0] =	ssyncset.done $0x0  }
0x64: {  	[sflag:s0] =	ssyncadd.s32 $0xFFFFFC00  }
.LBB2_1:
0x65: {  	s6 =	simm.s32 $0x0  }
0x66: {  	s12 =	sand.u32 $0x7E00, s6  }
0x67: {  	[smem:$0x7F9] =	sst s30;
	s25 =	sand.u32 $0x70, s6;
	s29 =	sshrl.u32 s12, $0x2  }
0x68: {  	s12 =	simm.s32 $0x40;
	s29 =	sor.u32 s25, s29;
	s25 =	simm.s32 $0x0  }
.LBB2_2:
0x69: {  	p1 =	sne.s32 s12, $0x7FC0  }
0x6a: {  	[tilespmem:s29+$0x18000] =	vst v0;
	s25 =	sadd.s32 $0x10, s25;
	s29 =	smov.u32 s12;
	s12 =	sadd.s32 $0x40, s12  }
.Ltmp2:
0x6b: {  	(pc) =	sbr.rel @p1 .LBB2_2-.Ltmp2, $4  }
0x6c: {  	_ = 	snop  }
0x6d: {  	s29 =	sand.u32 $0x7E00, s29  }
0x6e: {  	s30 =	sand.u32 $0x70, s25;
	s29 =	sshrl.u32 s29, $0x2  }
0x6f: {  	s29 =	sor.u32 s30, s29  }
0x70: {  	[tilespmem:s29+$0x18000] =	vst v0;
	s6 =	rddreg [dreg:$0x6]  }
0x71: {  	[spmem:s6] =	stream.linear.scatter [tilespmem:s31], [sflag:$0x5], $0x2000, $0x38;
	v63 =	vld [tilespmem:$0x0]  }
0x72: {  	_ =	swait.ge [sflag:s0], $0x2000  }
0x73: {  	[sflag:s0] =	ssyncset.done $0x0  }
0x74: {  	s12 =	rddreg [dreg:$0x8];
	[sflag:s0] =	ssyncadd.s32 $0xFFFFE000  }
0x75: {  	[spmem:s12] =	stream.linear.scatter [tilespmem:s31], [sflag:$0x5], $0x2000, $0x38;
	v63 =	vld [tilespmem:$0x0]  }
0x76: {  	_ =	swait.ge [sflag:s0], $0x2000  }
0x77: {  	[sflag:s0] =	ssyncset.done $0x0  }
0x78: {  	s25 =	rddreg [dreg:$0x9];
	[sflag:s0] =	ssyncadd.s32 $0xFFFFE000  }
0x79: {  	[spmem:s25] =	stream.linear.scatter [tilespmem:s31], [sflag:$0x5], $0x2000, $0x38;
	v63 =	vld [tilespmem:$0x0]  }
0x7a: {  	_ =	swait.ge [sflag:s0], $0x2000  }
0x7b: {  	[sflag:s0] =	ssyncset.done $0x0  }
0x7c: {  	s29 =	rddreg [dreg:$0x13];
	[sflag:s0] =	ssyncadd.s32 $0xFFFFE000  }
0x7d: {  	[spmem:s29] =	stream.linear.scatter [tilespmem:s31], [sflag:$0x5], $0x2000, $0x38;
	v63 =	vld [tilespmem:$0x0]  }
0x7e: {  	_ =	swait.ge [sflag:s0], $0x2000  }
0x7f: {  	[sflag:s0] =	ssyncset.done $0x0  }
0x80: {  	s12 =	rddreg [dreg:$0x14];
	[sflag:s0] =	ssyncadd.s32 $0xFFFFE000  }
0x81: {  	[spmem:s12] =	stream.linear.scatter [tilespmem:s31], [sflag:$0x5], $0x2000, $0x38;
	v63 =	vld [tilespmem:$0x0]  }
0x82: {  	_ =	swait.ge [sflag:s0], $0x2000  }
0x83: {  	[sflag:s0] =	ssyncset.done $0x0  }
0x84: {  	s25 =	rddreg [dreg:$0x15];
	[sflag:s0] =	ssyncadd.s32 $0xFFFFE000  }
0x85: {  	[spmem:s25] =	stream.linear.scatter [tilespmem:s31], [sflag:$0x5], $0x2000, $0x38;
	v63 =	vld [tilespmem:$0x0]  }
0x86: {  	_ =	swait.ge [sflag:s0], $0x2000  }
0x87: {  	[sflag:s0] =	ssyncset.done $0x0  }
0x88: {  	s29 =	rddreg [dreg:$0x16];
	[sflag:s0] =	ssyncadd.s32 $0xFFFFE000  }
0x89: {  	[spmem:s29] =	stream.linear.scatter [tilespmem:s31], [sflag:$0x5], $0x2000, $0x38;
	v63 =	vld [tilespmem:$0x0]  }
0x8a: {  	_ =	swait.ge [sflag:s0], $0x2000  }
0x8b: {  	[sflag:s0] =	ssyncset.done $0x0  }
0x8c: {  	s12 =	rddreg [dreg:$0x17];
	[sflag:s0] =	ssyncadd.s32 $0xFFFFE000  }
0x8d: {  	[spmem:s12] =	stream.linear.scatter [tilespmem:s31], [sflag:$0x5], $0x2000, $0x38;
	v63 =	vld [tilespmem:$0x0]  }
0x8e: {  	_ =	swait.ge [sflag:s0], $0x2000  }
0x8f: {  	[sflag:s0] =	ssyncset.done $0x0  }
0x90: {  	s25 =	rddreg [dreg:$0x18];
	[sflag:s0] =	ssyncadd.s32 $0xFFFFE000  }
0x91: {  	[spmem:s25] =	stream.linear.scatter [tilespmem:s31], [sflag:$0x5], $0x2000, $0x38;
	v63 =	vld [tilespmem:$0x0]  }
0x92: {  	_ =	swait.ge [sflag:s0], $0x2000  }
0x93: {  	[sflag:s0] =	ssyncset.done $0x0  }
0x94: {  	s29 =	rddreg [dreg:$0x19];
	[sflag:s0] =	ssyncadd.s32 $0xFFFFE000  }
0x95: {  	[spmem:s29] =	stream.linear.scatter [tilespmem:s31], [sflag:$0x5], $0x2000, $0x38;
	v63 =	vld [tilespmem:$0x0]  }
.Ltmp3:
0x96: {  	_ =	swait.ge [sflag:s0], $0x2000;
	(pc) =	sbr.rel @p0 .LBB2_8-.Ltmp3, $4  }
0x97: {  	[sflag:s0] =	ssyncset.done $0x0  }
0x98: {  	[sflag:s0] =	ssyncadd.s32 $0xFFFFE000  }
0x99: {  	[bflag:$0x0] =	sbarrier.arrive $0xFFFF  }
0x9a: {  	s30 =	simm.s32 $0x0;
	s12 =	simm.s32 $0x0;
	s25 =	simm.s32 $0x0  }
.LBB2_4:
0x9b: {  	s12 =	sshll.u32 s30, $0xD  }
0x9c: {  	s12 =	sadd.s32 s13, s12  }
0x9d: {  	s6 =	rddreg [dreg:$0x3];
	s12 =	sshrl.u32 s12, $0x3  }
0x9e: {  	s29 =	sadd.s32 s6, s12  }
0x9f: {  	[tilespmem:s10], [sflag:$0x5] =	stream.linear.gather [hbm4b:s29+s25], $0x2000, $0x38;
	v63 =	vld [tilespmem:$0x0]  }
0xa0: {  	_ =	swait.ge [sflag:s0], $0x2000  }
0xa1: {  	[sflag:s0] =	ssyncset.done $0x0  }
0xa2: {  	s12 =	sadd.s32 s7, s12;
	[sflag:s0] =	ssyncadd.s32 $0xFFFFE000  }
0xa3: {  	[tilespmem:s17], [sflag:$0x5] =	stream.linear.gather [hbm4b:s12+s25], $0x2000, $0x38;
	v63 =	vld [tilespmem:$0x0]  }
0xa4: {  	_ =	swait.ge [sflag:s0], $0x2000  }
0xa5: {  	[sflag:s0] =	ssyncset.done $0x0  }
0xa6: {  	[sflag:s0] =	ssyncadd.s32 $0xFFFFE000  }
0xa7: {  	[tilespmem:s31], [sflag:$0x1] =	stream.indirect.gather [hbm4b:s3+s11], $0x80, s10, s11, $0xb8;
	v63 =	vld [tilespmem:$0x0]  }
0xa8: {  	_ = 	snop  }
0xa9: {  	[tilespmem:s4], [sflag:$0x2] =	stream.indirect.gather [hbm4b:s3+s11], $0x80, s18, s11, $0xb8;
	v63 =	vld [tilespmem:$0x0]  }
0xaa: {  	_ = 	snop  }
0xab: {  	[tilespmem:s2], [sflag:$0x3] =	stream.indirect.gather [hbm4b:s3+s11], $0x80, s19, s11, $0xb8;
	v63 =	vld [tilespmem:$0x0]  }
0xac: {  	_ =	swait.ge [sflag:s20], $0x2000  }
0xad: {  	[sflag:s20] =	ssyncset.done $0x0  }
0xae: {  	s6 =	simm.s32 $0x16000;
	[sflag:s20] =	ssyncadd.s32 $0xFFFFE000  }
0xaf: {  	[spmem:s1] =	stream.indirect.scatter.add.f32 [tilespmem:s31], [sflag:$0x5], $0x80, s6, s11, $0xb8;
	v63 =	vld [tilespmem:$0x0]  }
0xb0: {  	_ =	swait.ge [sflag:s0], $0x2000  }
0xb1: {  	[sflag:s0] =	ssyncset.done $0x0  }
0xb2: {  	s6 =	simm.s32 $0x14180;
	[sflag:s0] =	ssyncadd.s32 $0xFFFFE000  }
0xb3: {  	[tilespmem:s14], [sflag:$0x4] =	stream.indirect.gather [hbm4b:s3+s11], $0x80, s6, s11, $0xb8;
	v63 =	vld [tilespmem:$0x0]  }
0xb4: {  	_ =	swait.ge [sflag:s21], $0x2000  }
0xb5: {  	[sflag:s21] =	ssyncset.done $0x0  }
0xb6: {  	s6 =	simm.s32 $0x16080;
	[sflag:s21] =	ssyncadd.s32 $0xFFFFE000  }
0xb7: {  	[spmem:s1] =	stream.indirect.scatter.add.f32 [tilespmem:s4], [sflag:$0x5], $0x80, s6, s11, $0xb8;
	v63 =	vld [tilespmem:$0x0]  }
0xb8: {  	_ =	swait.ge [sflag:s0], $0x2000  }
0xb9: {  	[sflag:s0] =	ssyncset.done $0x0  }
0xba: {  	s6 =	simm.s32 $0x14200;
	[sflag:s0] =	ssyncadd.s32 $0xFFFFE000  }
0xbb: {  	[tilespmem:s31], [sflag:$0x1] =	stream.indirect.gather [hbm4b:s3+s11], $0x80, s6, s11, $0xb8;
	v63 =	vld [tilespmem:$0x0]  }
0xbc: {  	_ =	swait.ge [sflag:s15], $0x2000  }
0xbd: {  	[sflag:s15] =	ssyncset.done $0x0  }
0xbe: {  	s6 =	simm.s32 $0x16100;
	[sflag:s15] =	ssyncadd.s32 $0xFFFFE000  }
0xbf: {  	[spmem:s1] =	stream.indirect.scatter.add.f32 [tilespmem:s2], [sflag:$0x5], $0x80, s6, s11, $0xb8;
	v63 =	vld [tilespmem:$0x0]  }
0xc0: {  	_ =	swait.ge [sflag:s0], $0x2000  }
0xc1: {  	[sflag:s0] =	ssyncset.done $0x0  }
0xc2: {  	s6 =	simm.s32 $0x14280;
	[sflag:s0] =	ssyncadd.s32 $0xFFFFE000  }
0xc3: {  	[tilespmem:s4], [sflag:$0x2] =	stream.indirect.gather [hbm4b:s3+s11], $0x80, s6, s11, $0xb8;
	v63 =	vld [tilespmem:$0x0]  }
0xc4: {  	_ =	swait.ge [sflag:s22], $0x2000  }
0xc5: {  	[sflag:s22] =	ssyncset.done $0x0  }
0xc6: {  	s6 =	simm.s32 $0x16180;
	[sflag:s22] =	ssyncadd.s32 $0xFFFFE000  }
0xc7: {  	[spmem:s1] =	stream.indirect.scatter.add.f32 [tilespmem:s14], [sflag:$0x5], $0x80, s6, s11, $0xb8;
	v63 =	vld [tilespmem:$0x0]  }
0xc8: {  	_ =	swait.ge [sflag:s0], $0x2000  }
0xc9: {  	[sflag:s0] =	ssyncset.done $0x0  }
0xca: {  	s29 =	simm.s32 $0x14300;
	s12 =	simm.s32 $0x800;
	[sflag:s0] =	ssyncadd.s32 $0xFFFFE000  }
.LBB2_5:
0xcb: {  	[tilespmem:s2], [sflag:$0x3] =	stream.indirect.gather [hbm4b:s3+s11], $0x80, s29, s11, $0xb8;
	v63 =	vld [tilespmem:$0x0]  }
0xcc: {  	s29 =	smov.u32 s12  }
0xcd: {  	p1 =	sne.s32 s12, $0x7000;
	s12 =	sadd.s32 $0x800, s12;
	_ =	swait.ge [sflag:s20], $0x2000  }
0xce: {  	s29 =	sshra.s32 s29, $0x2;
	[sflag:s20] =	ssyncset.done $0x0  }
0xcf: {  	s6 =	sadd.s32 $0x16000, s29;
	[sflag:s20] =	ssyncadd.s32 $0xFFFFE000  }
0xd0: {  	[spmem:s1] =	stream.indirect.scatter.add.f32 [tilespmem:s31], [sflag:$0x5], $0x80, s6, s11, $0xb8;
	v63 =	vld [tilespmem:$0x0]  }
0xd1: {  	_ =	swait.ge [sflag:s0], $0x2000  }
0xd2: {  	[sflag:s0] =	ssyncset.done $0x0  }
0xd3: {  	s6 =	sadd.s32 $0x14180, s29;
	[sflag:s0] =	ssyncadd.s32 $0xFFFFE000  }
0xd4: {  	[tilespmem:s14], [sflag:$0x4] =	stream.indirect.gather [hbm4b:s3+s11], $0x80, s6, s11, $0xb8;
	v63 =	vld [tilespmem:$0x0]  }
0xd5: {  	_ =	swait.ge [sflag:s21], $0x2000  }
0xd6: {  	[sflag:s21] =	ssyncset.done $0x0  }
0xd7: {  	s6 =	sadd.s32 $0x16080, s29;
	[sflag:s21] =	ssyncadd.s32 $0xFFFFE000  }
0xd8: {  	[spmem:s1] =	stream.indirect.scatter.add.f32 [tilespmem:s4], [sflag:$0x5], $0x80, s6, s11, $0xb8;
	v63 =	vld [tilespmem:$0x0]  }
0xd9: {  	_ =	swait.ge [sflag:s0], $0x2000  }
0xda: {  	[sflag:s0] =	ssyncset.done $0x0  }
0xdb: {  	s6 =	sadd.s32 $0x14200, s29;
	[sflag:s0] =	ssyncadd.s32 $0xFFFFE000  }
0xdc: {  	[tilespmem:s31], [sflag:$0x1] =	stream.indirect.gather [hbm4b:s3+s11], $0x80, s6, s11, $0xb8;
	v63 =	vld [tilespmem:$0x0]  }
0xdd: {  	_ =	swait.ge [sflag:s15], $0x2000  }
0xde: {  	[sflag:s15] =	ssyncset.done $0x0  }
0xdf: {  	s6 =	sadd.s32 $0x16100, s29;
	[sflag:s15] =	ssyncadd.s32 $0xFFFFE000  }
0xe0: {  	[spmem:s1] =	stream.indirect.scatter.add.f32 [tilespmem:s2], [sflag:$0x5], $0x80, s6, s11, $0xb8;
	v63 =	vld [tilespmem:$0x0]  }
0xe1: {  	_ =	swait.ge [sflag:s0], $0x2000  }
0xe2: {  	[sflag:s0] =	ssyncset.done $0x0  }
0xe3: {  	s6 =	sadd.s32 $0x14280, s29;
	[sflag:s0] =	ssyncadd.s32 $0xFFFFE000  }
0xe4: {  	[tilespmem:s4], [sflag:$0x2] =	stream.indirect.gather [hbm4b:s3+s11], $0x80, s6, s11, $0xb8;
	v63 =	vld [tilespmem:$0x0]  }
0xe5: {  	_ =	swait.ge [sflag:s22], $0x2000  }
0xe6: {  	[sflag:s22] =	ssyncset.done $0x0  }
.Ltmp4:
0xe7: {  	s6 =	sadd.s32 $0x16180, s29;
	[sflag:s22] =	ssyncadd.s32 $0xFFFFE000;
	(pc) =	sbr.rel @p1 .LBB2_5-.Ltmp4, $4  }
0xe8: {  	[spmem:s1] =	stream.indirect.scatter.add.f32 [tilespmem:s14], [sflag:$0x5], $0x80, s6, s11, $0xb8;
	v63 =	vld [tilespmem:$0x0]  }
0xe9: {  	_ =	swait.ge [sflag:s0], $0x2000  }
0xea: {  	[sflag:s0] =	ssyncset.done $0x0  }
0xeb: {  	s29 =	sadd.s32 $0x14300, s29;
	[sflag:s0] =	ssyncadd.s32 $0xFFFFE000  }
0xec: {  	[tilespmem:s2], [sflag:$0x3] =	stream.indirect.gather [hbm4b:s3+s11], $0x80, s29, s11, $0xb8;
	v63 =	vld [tilespmem:$0x0]  }
0xed: {  	_ =	swait.ge [sflag:s20], $0x2000  }
0xee: {  	[sflag:s20] =	ssyncset.done $0x0  }
0xef: {  	[sflag:s20] =	ssyncadd.s32 $0xFFFFE000  }
0xf0: {  	[spmem:s1] =	stream.indirect.scatter.add.f32 [tilespmem:s31], [sflag:$0x5], $0x80, s16, s11, $0xb8;
	v63 =	vld [tilespmem:$0x0]  }
0xf1: {  	_ =	swait.ge [sflag:s0], $0x2000  }
0xf2: {  	[sflag:s0] =	ssyncset.done $0x0  }
0xf3: {  	[sflag:s0] =	ssyncadd.s32 $0xFFFFE000  }
0xf4: {  	[tilespmem:s14], [sflag:$0x4] =	stream.indirect.gather [hbm4b:s3+s11], $0x80, s23, s11, $0xb8;
	v63 =	vld [tilespmem:$0x0]  }
0xf5: {  	_ =	swait.ge [sflag:s21], $0x2000  }
0xf6: {  	[sflag:s21] =	ssyncset.done $0x0  }
0xf7: {  	[sflag:s21] =	ssyncadd.s32 $0xFFFFE000  }
0xf8: {  	[spmem:s1] =	stream.indirect.scatter.add.f32 [tilespmem:s4], [sflag:$0x5], $0x80, s26, s11, $0xb8;
	v63 =	vld [tilespmem:$0x0]  }
0xf9: {  	_ =	swait.ge [sflag:s0], $0x2000  }
0xfa: {  	[sflag:s0] =	ssyncset.done $0x0  }
0xfb: {  	[sflag:s0] =	ssyncadd.s32 $0xFFFFE000  }
0xfc: {  	_ =	swait.ge [sflag:s15], $0x2000  }
0xfd: {  	[sflag:s15] =	ssyncset.done $0x0  }
0xfe: {  	[sflag:s15] =	ssyncadd.s32 $0xFFFFE000  }
0xff: {  	[spmem:s1] =	stream.indirect.scatter.add.f32 [tilespmem:s2], [sflag:$0x5], $0x80, s28, s11, $0xb8;
	v63 =	vld [tilespmem:$0x0]  }
0x100: {  	_ =	swait.ge [sflag:s0], $0x2000  }
0x101: {  	[sflag:s0] =	ssyncset.done $0x0  }
0x102: {  	[sflag:s0] =	ssyncadd.s32 $0xFFFFE000  }
0x103: {  	s30 =	sadd.s32 $0x1, s30;
	_ =	swait.ge [sflag:s22], $0x2000  }
0x104: {  	p1 =	seq.s32 s30, $0x5;
	[sflag:s22] =	ssyncset.done $0x0  }
.Ltmp5:
0x105: {  	[sflag:s22] =	ssyncadd.s32 $0xFFFFE000;
	(pc) =	sbr.rel @!p1 .LBB2_4-.Ltmp5, $4  }
0x106: {  	[spmem:s1] =	stream.indirect.scatter.add.f32 [tilespmem:s14], [sflag:$0x5], $0x80, s24, s11, $0xb8;
	v63 =	vld [tilespmem:$0x0]  }
0x107: {  	_ =	swait.ge [sflag:s0], $0x2000  }
0x108: {  	[sflag:s0] =	ssyncset.done $0x0  }
0x109: {  	[sflag:s0] =	ssyncadd.s32 $0xFFFFE000  }
.Ltmp6:
0x10a: {  	(pc) =	sbr.rel .LBB2_12-.Ltmp6, $3  }
0x10b: {  	_ =	sdelay $0x1  }
0x10c: {  	s12 =	rddreg [dreg:$0x4]  }
0x10d: {  	s30 =	sld [smem:$0x7F9]  }
.LBB2_8:
0x10e: {  	s6 =	sshll.u32 s12, $0xD  }
0x10f: {  	s6 =	sadd.s32 s13, s6  }
0x110: {  	s6 =	sshrl.u32 s6, $0x3  }
0x111: {  	s29 =	sadd.s32 s8, s6  }
0x112: {  	[tilespmem:s10], [sflag:$0x5] =	stream.linear.gather [hbm4b:s29+s25], $0x2000, $0x38;
	v63 =	vld [tilespmem:$0x0]  }
0x113: {  	_ =	swait.ge [sflag:s0], $0x2000  }
0x114: {  	[sflag:s0] =	ssyncset.done $0x0  }
0x115: {  	s6 =	sadd.s32 s9, s6;
	[sflag:s0] =	ssyncadd.s32 $0xFFFFE000  }
0x116: {  	[tilespmem:s17], [sflag:$0x5] =	stream.linear.gather [hbm4b:s6+s25], $0x2000, $0x38;
	v63 =	vld [tilespmem:$0x0]  }
0x117: {  	_ =	swait.ge [sflag:s0], $0x2000  }
0x118: {  	[sflag:s0] =	ssyncset.done $0x0  }
0x119: {  	[sflag:s0] =	ssyncadd.s32 $0xFFFFE000  }
0x11a: {  	[tilespmem:s31], [sflag:$0x1] =	stream.indirect.gather [hbm4b:s5+s11], $0x80, s10, s11, $0xb8;
	v63 =	vld [tilespmem:$0x0]  }
0x11b: {  	_ = 	snop  }
0x11c: {  	[tilespmem:s4], [sflag:$0x2] =	stream.indirect.gather [hbm4b:s5+s11], $0x80, s18, s11, $0xb8;
	v63 =	vld [tilespmem:$0x0]  }
0x11d: {  	_ = 	snop  }
0x11e: {  	[tilespmem:s2], [sflag:$0x3] =	stream.indirect.gather [hbm4b:s5+s11], $0x80, s19, s11, $0xb8;
	v63 =	vld [tilespmem:$0x0]  }
0x11f: {  	_ =	swait.ge [sflag:s20], $0x2000  }
0x120: {  	[sflag:s20] =	ssyncset.done $0x0  }
0x121: {  	s6 =	simm.s32 $0x16000;
	[sflag:s20] =	ssyncadd.s32 $0xFFFFE000  }
0x122: {  	[spmem:s1] =	stream.indirect.scatter.add.f32 [tilespmem:s31], [sflag:$0x5], $0x80, s6, s11, $0xb8;
	v63 =	vld [tilespmem:$0x0]  }
0x123: {  	_ =	swait.ge [sflag:s0], $0x2000  }
0x124: {  	[sflag:s0] =	ssyncset.done $0x0  }
0x125: {  	s6 =	simm.s32 $0x14180;
	[sflag:s0] =	ssyncadd.s32 $0xFFFFE000  }
0x126: {  	[tilespmem:s14], [sflag:$0x4] =	stream.indirect.gather [hbm4b:s5+s11], $0x80, s6, s11, $0xb8;
	v63 =	vld [tilespmem:$0x0]  }
0x127: {  	_ =	swait.ge [sflag:s21], $0x2000  }
0x128: {  	[sflag:s21] =	ssyncset.done $0x0  }
0x129: {  	s6 =	simm.s32 $0x16080;
	[sflag:s21] =	ssyncadd.s32 $0xFFFFE000  }
0x12a: {  	[spmem:s1] =	stream.indirect.scatter.add.f32 [tilespmem:s4], [sflag:$0x5], $0x80, s6, s11, $0xb8;
	v63 =	vld [tilespmem:$0x0]  }
0x12b: {  	_ =	swait.ge [sflag:s0], $0x2000  }
0x12c: {  	[sflag:s0] =	ssyncset.done $0x0  }
0x12d: {  	s6 =	simm.s32 $0x14200;
	[sflag:s0] =	ssyncadd.s32 $0xFFFFE000  }
0x12e: {  	[tilespmem:s31], [sflag:$0x1] =	stream.indirect.gather [hbm4b:s5+s11], $0x80, s6, s11, $0xb8;
	v63 =	vld [tilespmem:$0x0]  }
0x12f: {  	_ =	swait.ge [sflag:s15], $0x2000  }
0x130: {  	[sflag:s15] =	ssyncset.done $0x0  }
0x131: {  	s6 =	simm.s32 $0x16100;
	[sflag:s15] =	ssyncadd.s32 $0xFFFFE000  }
0x132: {  	[spmem:s1] =	stream.indirect.scatter.add.f32 [tilespmem:s2], [sflag:$0x5], $0x80, s6, s11, $0xb8;
	v63 =	vld [tilespmem:$0x0]  }
0x133: {  	_ =	swait.ge [sflag:s0], $0x2000  }
0x134: {  	[sflag:s0] =	ssyncset.done $0x0  }
0x135: {  	s6 =	simm.s32 $0x14280;
	[sflag:s0] =	ssyncadd.s32 $0xFFFFE000  }
0x136: {  	[tilespmem:s4], [sflag:$0x2] =	stream.indirect.gather [hbm4b:s5+s11], $0x80, s6, s11, $0xb8;
	v63 =	vld [tilespmem:$0x0]  }
0x137: {  	_ =	swait.ge [sflag:s22], $0x2000  }
0x138: {  	[sflag:s22] =	ssyncset.done $0x0  }
0x139: {  	s6 =	simm.s32 $0x16180;
	[sflag:s22] =	ssyncadd.s32 $0xFFFFE000  }
0x13a: {  	[spmem:s1] =	stream.indirect.scatter.add.f32 [tilespmem:s14], [sflag:$0x5], $0x80, s6, s11, $0xb8;
	v63 =	vld [tilespmem:$0x0]  }
0x13b: {  	_ =	swait.ge [sflag:s0], $0x2000  }
0x13c: {  	[sflag:s0] =	ssyncset.done $0x0  }
0x13d: {  	s30 =	simm.s32 $0x800;
	s29 =	simm.s32 $0x14300;
	[sflag:s0] =	ssyncadd.s32 $0xFFFFE000  }
.LBB2_9:
0x13e: {  	[tilespmem:s2], [sflag:$0x3] =	stream.indirect.gather [hbm4b:s5+s11], $0x80, s29, s11, $0xb8;
	v63 =	vld [tilespmem:$0x0]  }
0x13f: {  	s6 =	smov.u32 s30  }
0x140: {  	p1 =	sne.s32 s30, $0x7000;
	s30 =	sadd.s32 $0x800, s30;
	_ =	swait.ge [sflag:s20], $0x2000  }
0x141: {  	s29 =	sshra.s32 s6, $0x2;
	[sflag:s20] =	ssyncset.done $0x0  }
0x142: {  	s6 =	sadd.s32 $0x16000, s29;
	[sflag:s20] =	ssyncadd.s32 $0xFFFFE000  }
0x143: {  	[spmem:s1] =	stream.indirect.scatter.add.f32 [tilespmem:s31], [sflag:$0x5], $0x80, s6, s11, $0xb8;
	v63 =	vld [tilespmem:$0x0]  }
0x144: {  	_ =	swait.ge [sflag:s0], $0x2000  }
0x145: {  	[sflag:s0] =	ssyncset.done $0x0  }
0x146: {  	s6 =	sadd.s32 $0x14180, s29;
	[sflag:s0] =	ssyncadd.s32 $0xFFFFE000  }
0x147: {  	[tilespmem:s14], [sflag:$0x4] =	stream.indirect.gather [hbm4b:s5+s11], $0x80, s6, s11, $0xb8;
	v63 =	vld [tilespmem:$0x0]  }
0x148: {  	_ =	swait.ge [sflag:s21], $0x2000  }
0x149: {  	[sflag:s21] =	ssyncset.done $0x0  }
0x14a: {  	s6 =	sadd.s32 $0x16080, s29;
	[sflag:s21] =	ssyncadd.s32 $0xFFFFE000  }
0x14b: {  	[spmem:s1] =	stream.indirect.scatter.add.f32 [tilespmem:s4], [sflag:$0x5], $0x80, s6, s11, $0xb8;
	v63 =	vld [tilespmem:$0x0]  }
0x14c: {  	_ =	swait.ge [sflag:s0], $0x2000  }
0x14d: {  	[sflag:s0] =	ssyncset.done $0x0  }
0x14e: {  	s6 =	sadd.s32 $0x14200, s29;
	[sflag:s0] =	ssyncadd.s32 $0xFFFFE000  }
0x14f: {  	[tilespmem:s31], [sflag:$0x1] =	stream.indirect.gather [hbm4b:s5+s11], $0x80, s6, s11, $0xb8;
	v63 =	vld [tilespmem:$0x0]  }
0x150: {  	_ =	swait.ge [sflag:s15], $0x2000  }
0x151: {  	[sflag:s15] =	ssyncset.done $0x0  }
0x152: {  	s6 =	sadd.s32 $0x16100, s29;
	[sflag:s15] =	ssyncadd.s32 $0xFFFFE000  }
0x153: {  	[spmem:s1] =	stream.indirect.scatter.add.f32 [tilespmem:s2], [sflag:$0x5], $0x80, s6, s11, $0xb8;
	v63 =	vld [tilespmem:$0x0]  }
0x154: {  	_ =	swait.ge [sflag:s0], $0x2000  }
0x155: {  	[sflag:s0] =	ssyncset.done $0x0  }
0x156: {  	s6 =	sadd.s32 $0x14280, s29;
	[sflag:s0] =	ssyncadd.s32 $0xFFFFE000  }
0x157: {  	[tilespmem:s4], [sflag:$0x2] =	stream.indirect.gather [hbm4b:s5+s11], $0x80, s6, s11, $0xb8;
	v63 =	vld [tilespmem:$0x0]  }
0x158: {  	_ =	swait.ge [sflag:s22], $0x2000  }
0x159: {  	[sflag:s22] =	ssyncset.done $0x0  }
.Ltmp7:
0x15a: {  	s6 =	sadd.s32 $0x16180, s29;
	[sflag:s22] =	ssyncadd.s32 $0xFFFFE000;
	(pc) =	sbr.rel @p1 .LBB2_9-.Ltmp7, $4  }
0x15b: {  	[spmem:s1] =	stream.indirect.scatter.add.f32 [tilespmem:s14], [sflag:$0x5], $0x80, s6, s11, $0xb8;
	v63 =	vld [tilespmem:$0x0]  }
0x15c: {  	_ =	swait.ge [sflag:s0], $0x2000  }
0x15d: {  	[sflag:s0] =	ssyncset.done $0x0  }
0x15e: {  	s29 =	sadd.s32 $0x14300, s29;
	[sflag:s0] =	ssyncadd.s32 $0xFFFFE000  }
0x15f: {  	[tilespmem:s2], [sflag:$0x3] =	stream.indirect.gather [hbm4b:s5+s11], $0x80, s29, s11, $0xb8;
	v63 =	vld [tilespmem:$0x0]  }
0x160: {  	_ =	swait.ge [sflag:s20], $0x2000  }
0x161: {  	[sflag:s20] =	ssyncset.done $0x0  }
0x162: {  	[sflag:s20] =	ssyncadd.s32 $0xFFFFE000  }
0x163: {  	[spmem:s1] =	stream.indirect.scatter.add.f32 [tilespmem:s31], [sflag:$0x5], $0x80, s16, s11, $0xb8;
	v63 =	vld [tilespmem:$0x0]  }
0x164: {  	_ =	swait.ge [sflag:s0], $0x2000  }
0x165: {  	[sflag:s0] =	ssyncset.done $0x0  }
0x166: {  	[sflag:s0] =	ssyncadd.s32 $0xFFFFE000  }
0x167: {  	[tilespmem:s14], [sflag:$0x4] =	stream.indirect.gather [hbm4b:s5+s11], $0x80, s23, s11, $0xb8;
	v63 =	vld [tilespmem:$0x0]  }
0x168: {  	_ =	swait.ge [sflag:s21], $0x2000  }
0x169: {  	[sflag:s21] =	ssyncset.done $0x0  }
0x16a: {  	[sflag:s21] =	ssyncadd.s32 $0xFFFFE000  }
0x16b: {  	[spmem:s1] =	stream.indirect.scatter.add.f32 [tilespmem:s4], [sflag:$0x5], $0x80, s26, s11, $0xb8;
	v63 =	vld [tilespmem:$0x0]  }
0x16c: {  	_ =	swait.ge [sflag:s0], $0x2000  }
0x16d: {  	[sflag:s0] =	ssyncset.done $0x0  }
0x16e: {  	[sflag:s0] =	ssyncadd.s32 $0xFFFFE000  }
0x16f: {  	_ =	swait.ge [sflag:s15], $0x2000  }
0x170: {  	[sflag:s15] =	ssyncset.done $0x0  }
0x171: {  	[sflag:s15] =	ssyncadd.s32 $0xFFFFE000  }
0x172: {  	[spmem:s1] =	stream.indirect.scatter.add.f32 [tilespmem:s2], [sflag:$0x5], $0x80, s28, s11, $0xb8;
	v63 =	vld [tilespmem:$0x0]  }
0x173: {  	_ =	swait.ge [sflag:s0], $0x2000  }
0x174: {  	[sflag:s0] =	ssyncset.done $0x0  }
0x175: {  	[sflag:s0] =	ssyncadd.s32 $0xFFFFE000  }
0x176: {  	s12 =	sadd.s32 $0x1, s12;
	_ =	swait.ge [sflag:s22], $0x2000  }
0x177: {  	p1 =	sne.s32 s12, $0x5;
	[sflag:s22] =	ssyncset.done $0x0  }
.Ltmp8:
0x178: {  	[sflag:s22] =	ssyncadd.s32 $0xFFFFE000;
	(pc) =	sbr.rel @p1 .LBB2_8-.Ltmp8, $4  }
0x179: {  	[spmem:s1] =	stream.indirect.scatter.add.f32 [tilespmem:s14], [sflag:$0x5], $0x80, s24, s11, $0xb8;
	v63 =	vld [tilespmem:$0x0]  }
0x17a: {  	_ =	swait.ge [sflag:s0], $0x2000  }
0x17b: {  	[sflag:s0] =	ssyncset.done $0x0  }
0x17c: {  	[sflag:s0] =	ssyncadd.s32 $0xFFFFE000  }
.Ltmp9:
0x17d: {  	(pc) =	sbr.rel .LBB2_12-.Ltmp9, $3  }
0x17e: {  	_ =	sdelay $0x1  }
0x17f: {  	s12 =	rddreg [dreg:$0x5]  }
0x180: {  	s30 =	sld [smem:$0x7F9]  }
.LBB2_13:
0x181: {  	_ =	sfence.sel $0x180000  }
0x182: {  	[bflag:$0x0] =	sbarrier.arrive $0xFFFF  }
0x183: {  	_ =	strace $0x90000047  }
0x184: {  	s0 =	stileid.u32;
	[bflag:$0x2] =	sbarrier.arrive $0xFFFF  }
0x185: {  	p0 =	sne.s32 s0, $0x0;
	s0 =	rddreg [dreg:$0x2]  }
0x186: {  	s0 =	sadd.s32 @!p0 $0x100000, s0  }
0x187: {  	[sflag:s0] =	ssyncadd.tile.s32 @!p0 $0x1;
	_ =	shalt  }
.Lfunc_end2:
_tile_overlayer_lowered:
.L_overlay_start_2:
0x188: {  	(tag) =	ssettag $0x2  }
0x189: {  	s0 =	rddreg [dreg:$0x0];
	s2 =	stileid.u32  }
0x18a: {  	s1 =	rddreg [dreg:$0x1];
	p0 =	sne.s32 s2, $0x0  }
0x18b: {  	s3 =	rddreg [dreg:$0x2];
	[bflag:$0x3] =	sbarrier.arrive $0xFFFF;
	s2 =	simm.s32 @!p0 $0x1C05  }
0x18c: {  	[timem:s3], [sflag:s2] =	dma.local @!p0 [hbm:s0], s1  }
0x18d: {  	s0 =	simm.s32 @!p0 $0x5  }
0x18e: {  	_ =	swait.ge @!p0 [sflag:s0], s1  }
0x18f: {  	s1 =	ssub.s32 @!p0 $0x0, s1;
	[sflag:s0] =	ssyncset.done @!p0 $0x0  }
0x190: {  	[sflag:s0] =	ssyncadd.s32 @!p0 s1  }
0x191: {  	[bflag:$0x3] =	sbarrier.arrive $0xFFFF  }
0x192: {  	_ =	shalt  }

// kernel: kernel.9.cloned.1.call-start
scs
__scs_entry_jumppad:
0x0: {  	(pc) =	sbr.rel $0x88, $3  }
0x1: {  	(tag) =	ssettag $0x0;
	lr =	simm.s32 $0x1  }
0x2: {  	[smem:$0x3F98] =	sst lr;
	_ =	strace $0xD0000000  }
0x3: {  	_ = 	snop  }
0x4: {  	_ = 	snop  }
0x5: {  	_ = 	snop  }
0x6: {  	_ = 	snop  }
0x7: {  	_ = 	snop  }
__scs_overlays_trampoline_lowered:
0x8: {  	[smem:$0x3FA7] =	sst s0  }
0x9: {  	[smem:$0x3FA8] =	sst s1  }
0xa: {  	[smem:$0x3FA9] =	sst s2  }
0xb: {  	[smem:$0x3FAA] =	sst s3  }
0xc: {  	[smem:$0x3FAB] =	sst s4  }
0xd: {  	[smem:$0x3FAC] =	sst s5  }
0xe: {  	[smem:$0x3FAD] =	sst s6  }
0xf: {  	[smem:$0x3FAE] =	sst s7  }
0x10: {  	[smem:$0x3FAF] =	sst s8  }
0x11: {  	[smem:$0x3FB0] =	sst s9;
	s0 =	simm.s32 @!p0 $0x0  }
0x12: {  	s1 =	sld [smem:$0x3F96];
	s0 =	simm.s32 @p0 $0x1  }
0x13: {  	[smem:$0x3FB1] =	sst s0;
	s0 =	simm.s32 @!p1 $0x0  }
0x14: {  	s2 =	sld [smem:$0x3F95];
	s0 =	simm.s32 @p1 $0x1  }
0x15: {  	[smem:$0x3FB2] =	sst s0;
	s0 =	simm.s32 @!p2 $0x0  }
0x16: {  	s3 =	sld [smem:$0x3FDB];
	s0 =	simm.s32 @p2 $0x1  }
0x17: {  	s4 =	simm.s32 $0x1BF5;
	[smem:$0x3FB4] =	sst s0  }
0x18: {  	s0 =	sld [smem:$0x3F97];
	_ =	swait.ge [sflag:s4], $0x0  }
0x19: {  	s7 =	sld [smem:$0x3F98]  }
0x1a: {  	s8 =	sadd.s32 $0xFFFFE003, lr  }
0x1b: {  	s9 =	sadd.s32 $0xFFFFFEF7, lr;
	s5 =	simm.s32 $0xFFFFFFFF;
	p2 =	slt.u32 s8, $0xFFFFF086  }
0x1c: {  	p1 =	slt.u32 s9, $0xF7A;
	s5 =	simm.s32 @!p2 $0x0  }
0x1d: {  	s5 =	simm.s32 @p1 $0x1;
	p0 =	seq.s32 s7, s2  }
0x1e: {  	s7 =	smul.u32 @!p0 $0xF7A, s2;
	p2 =	seq.s32 @!p0 s5, $0x0  }
0x1f: {  	s9 =	smul.u32 $0xF7A, s1;
	s8 =	simm.s32 @!p0 $0x1BF5;
	p2 =	por !p2, p0  }
0x20: {  	[sflag:s8] =	ssyncset.s32 @!p0 $0xFFFFF086;
	s6 =	sadd.s32 @!p0 s3, s7;
	s7 =	simm.s32 @!p0 $0x108  }
0x21: {  	s3 =	sadd.s32 s3, s9;
	s6 =	sadd.s32 @!p0 $0x88, s6;
	s7 =	simm.s32 @p2 $0x1082  }
0x22: {  	[simem:s7], [sflag:s8] =	dma.local @!p0 [hbm:s6], $0xF7A  }
0x23: {  	s9 =	sor.u32 $0xD0000000, s2;
	s6 =	simm.s32 $0x108;
	_ =	swait.ge @!p0 [sflag:s8], $0x0  }
0x24: {  	s3 =	sadd.s32 $0x88, s3;
	s6 =	simm.s32 @!p1 $0x1082;
	[sflag:s4] =	ssyncset.s32 $0xFFFFF086  }
0x25: {  	[simem:s6], [sflag:s4] =	dma.local [hbm:s3], $0xF7A  }
0x26: {  	[smem:$0x3F98] =	sst s1;
	(tag) =	ssettag s2;
	_ =	strace s9  }
0x27: {  	s1 =	sld [smem:$0x3FA8]  }
0x28: {  	s2 =	sld [smem:$0x3FA9]  }
0x29: {  	s4 =	sld [smem:$0x3FAB]  }
0x2a: {  	p0 =	seq.s32 s5, $0x0;
	s5 =	sld [smem:$0x3FAC]  }
0x2b: {  	s6 =	sld [smem:$0x3FAD]  }
0x2c: {  	s7 =	sld [smem:$0x3FAE]  }
0x2d: {  	s3 =	simm.s32 $0x108;
	s8 =	sld [smem:$0x3FAF]  }
0x2e: {  	s3 =	simm.s32 @!p0 $0x1082;
	s9 =	sld [smem:$0x3FB0]  }
0x2f: {  	lr =	sadd.s32 s0, s3;
	s0 =	sld [smem:$0x3FA7]  }
0x30: {  	s3 =	sld [smem:$0x3FAA]  }
0x31: {  	[smem:$0x3FB3] =	sst s10  }
0x32: {  	s10 =	sld [smem:$0x3FB1];
	_ =	sdelay $0x3  }
0x33: {  	p0 =	seq.s32 s10, $0x1;
	s10 =	sld [smem:$0x3FB3];
	_ =	sdelay $0x3  }
0x34: {  	[smem:$0x3FB3] =	sst s10  }
0x35: {  	s10 =	sld [smem:$0x3FB2];
	_ =	sdelay $0x3  }
0x36: {  	p1 =	seq.s32 s10, $0x1;
	s10 =	sld [smem:$0x3FB3];
	_ =	sdelay $0x3  }
0x37: {  	[smem:$0x3FB3] =	sst s10  }
0x38: {  	s10 =	sld [smem:$0x3FB4]  }
0x39: {  	_ = 	snop;
	(pc) =	sbr.ind lr, $3  }
0x3a: {  	_ = 	snop  }
0x3b: {  	_ = 	snop  }
0x3c: {  	p2 =	seq.s32 s10, $0x1;
	s10 =	sld [smem:$0x3FB3]  }
0x3d: {  	_ =	shalt  }
0x3e: {  	_ =	shalt  }
0x3f: {  	_ =	shalt  }
0x40: {  	_ =	shalt  }
0x41: {  	_ =	shalt  }
0x42: {  	_ =	shalt  }
0x43: {  	_ =	shalt  }
0x44: {  	_ =	shalt  }
0x45: {  	_ =	shalt  }
0x46: {  	_ =	shalt  }
0x47: {  	_ =	shalt  }
0x48: {  	_ =	shalt  }
0x49: {  	_ =	shalt  }
0x4a: {  	_ =	shalt  }
0x4b: {  	_ =	shalt  }
0x4c: {  	_ =	shalt  }
0x4d: {  	_ =	shalt  }
0x4e: {  	_ =	shalt  }
0x4f: {  	_ =	shalt  }
0x50: {  	_ =	shalt  }
0x51: {  	_ =	shalt  }
0x52: {  	_ =	shalt  }
0x53: {  	_ =	shalt  }
0x54: {  	_ =	shalt  }
0x55: {  	_ =	shalt  }
0x56: {  	_ =	shalt  }
0x57: {  	_ =	shalt  }
0x58: {  	_ =	shalt  }
0x59: {  	_ =	shalt  }
0x5a: {  	_ =	shalt  }
0x5b: {  	_ =	shalt  }
0x5c: {  	_ =	shalt  }
0x5d: {  	_ =	shalt  }
0x5e: {  	_ =	shalt  }
0x5f: {  	_ =	shalt  }
0x60: {  	_ =	shalt  }
0x61: {  	_ =	shalt  }
0x62: {  	_ =	shalt  }
0x63: {  	_ =	shalt  }
0x64: {  	_ =	shalt  }
0x65: {  	_ =	shalt  }
0x66: {  	_ =	shalt  }
0x67: {  	_ =	shalt  }
0x68: {  	_ =	shalt  }
0x69: {  	_ =	shalt  }
0x6a: {  	_ =	shalt  }
0x6b: {  	_ =	shalt  }
0x6c: {  	_ =	shalt  }
0x6d: {  	_ =	shalt  }
0x6e: {  	_ =	shalt  }
0x6f: {  	_ =	shalt  }
0x70: {  	_ =	shalt  }
0x71: {  	_ =	shalt  }
0x72: {  	_ =	shalt  }
0x73: {  	_ =	shalt  }
0x74: {  	_ =	shalt  }
0x75: {  	_ =	shalt  }
0x76: {  	_ =	shalt  }
0x77: {  	_ =	shalt  }
0x78: {  	_ =	shalt  }
0x79: {  	_ =	shalt  }
0x7a: {  	_ =	shalt  }
0x7b: {  	_ =	shalt  }
0x7c: {  	_ =	shalt  }
0x7d: {  	_ =	shalt  }
0x7e: {  	_ =	shalt  }
0x7f: {  	_ =	shalt  }
0x80: {  	_ =	shalt  }
0x81: {  	_ =	shalt  }
0x82: {  	_ =	shalt  }
0x83: {  	_ =	shalt  }
0x84: {  	_ =	shalt  }
0x85: {  	_ =	shalt  }
0x86: {  	_ =	shalt  }
0x87: {  	_ =	shalt  }
.Lfunc_end0:
.L_simem_size_0:
called_computation.1_lowered:
.L_overlay_start_0:
0x88: {  	s2 =	sld [smem:$0x3FD9]  }
0x89: {  	s3 =	sld [smem:$0x3FFE];
	_ =	sdelay $0x1  }
0x8a: {  	s1 =	srdreg.scid  }
0x8b: {  	s0 =	sand.u32 $0x1, s1  }
0x8c: {  	s14 =	sshll.u32 s0, $0xA;
	s2 =	sadd.s32 s3, s2  }
0x8d: {  	s2 =	sadd.s32 s2, s14  }
0x8e: {  	[smem:$0x3FBF] =	sst s2  }
0x8f: {  	_ = 	snop  }
0x90: {  	s2 =	sld [smem:$0x3FD0];
	_ =	sdelay $0x2  }
0x91: {  	s15 =	simm.s32 $0xA;
	s4 =	simm.s32 $0x10  }
0x92: {  	[smem:s4], [sflag:s15] =	dma.local [hbm:s2], $0x1  }
0x93: {  	_ =	swait.eq [sflag:s15], $0x1  }
0x94: {  	[sflag:s15] =	ssyncset.done $0x0  }
0x95: {  	s16 =	sld [smem:$0x10];
	[sflag:s15] =	ssyncadd.s32 $0xFFFFFFFF  }
0x96: {  	s17 =	sld [smem:$0x11];
	(tm) =	ssettm $0x1  }
0x97: {  	s18 =	sld [smem:$0x3FFB];
	_ =	sdelay $0x3  }
0x98: {  	_ =	strace s18  }
0x99: {  	s4 =	sld [smem:$0x3FFC];
	_ =	sdelay $0x3  }
0x9a: {  	_ =	strace s4  }
0x9b: {  	s4 =	sld [smem:$0x3FFD];
	_ =	sdelay $0x3  }
0x9c: {  	_ =	strace s4  }
0x9d: {  	_ =	strace $0x8FFFFFFF  }
0x9e: {  	s19 =	sld [smem:$0x3FDB];
	_ =	sdelay $0x1  }
0x9f: {  	s5 =	simm.s32 $_scs_section_size  }
0xa0: {  	s6 =	simm.s32 $_size__tile_overlayer_lowered;
	s7 =	simm.s32 $_tile_overlayer_lowered  }
0xa1: {  	s22 =	simm.s32 $0x1BFF;
	s21 =	sshll.u32 s7, $0x1;
	s4 =	sadd.s32 s5, s19  }
0xa2: {  	s8 =	simm.s32 $0x0;
	s20 =	sshll.u32 s6, $0x1;
	s6 =	sadd.s32 s21, s4  }
0xa3: {  	[timem:s8], [sflag:s22] =	dma.local [hbm:s6], s20  }
0xa4: {  	_ =	swait.ge [sflag:s22], s20  }
0xa5: {  	s5 =	ssub.s32 $0x0, s20;
	[sflag:s22] =	ssyncset.done $0x0  }
0xa6: {  	[sflag:s22] =	ssyncadd.s32 s5;
	_ =	sdelay $0x1  }
0xa7: {  	s23 =	simm.s32 $0x1B8B  }
0xa8: {  	_ =	swait.ge [sflag:s23], $0x1  }
0xa9: {  	[sflag:s23] =	ssyncset.done $0x0  }
0xaa: {  	s25 =	simm.s32 $0x1B8E;
	s24 =	sld [smem:$0x3FFE];
	[sflag:s23] =	ssyncadd.s32 $0xFFFFFFFF  }
0xab: {  	s26 =	simm.s32 $execute0_lowered;
	[smem:$0x3FD2] =	sst s25  }
0xac: {  	s6 =	sshll.u32 s26, $0x1;
	_ =	strace $0x80000049;
	[dreg:$0x1] =	wrdreg $0xFFFFFFFF  }
0xad: {  	s28 =	simm.s32 $_size_execute0_lowered;
	s4 =	sadd.s32 s4, s6;
	[dreg:$0x0] =	wrdreg $0x0  }
0xae: {  	s6 =	sshll.u32 s28, $0x1;
	[dreg:$0x2] =	wrdreg s4  }
0xaf: {  	[dreg:$0x3] =	wrdreg s6  }
0xb0: {  	[dreg:$0x4] =	wrdreg $0xC0  }
0xb1: {  	_ =	task [dreg:s8], $0x5FFFF  }
0xb2: {  	[dreg:$0x1] =	wrdreg $0xFFFFFFFF  }
0xb3: {  	[dreg:$0x0] =	wrdreg $0x60  }
0xb4: {  	[dreg:$0x2] =	wrdreg s17  }
0xb5: {  	[dreg:$0x3] =	wrdreg s16  }
0xb6: {  	[dreg:$0x4] =	wrdreg s24  }
0xb7: {  	[dreg:$0x5] =	wrdreg $0x9  }
0xb8: {  	_ =	task.clear_ibuf [dreg:s8], $0x6FFFF;
	_ =	strace $0x90000049  }
0xb9: {  	s29 =	simm.s32 $0x9;
	_ =	strace $0x8000004B  }
0xba: {  	_ =	swait.ge [sflag:s29], $0x1  }
0xbb: {  	[sflag:s29] =	ssyncadd.s32 $0xFFFFFFFF  }
0xbc: {  	_ =	strace $0x9000004B  }
0xbd: {  	_ =	sfence  }
0xbe: {  	s30 =	sld [smem:$0x0];
	_ =	sdelay $0x2  }
0xbf: {  	s31 =	sshll.u32 s1, $0xD;
	s1 =	sshrl.u32 s1, $0x2  }
0xc0: {  	s3 =	sand.u32 $0x4000, s31;
	s1 =	sadd.s32 s1, s30  }
0xc1: {  	s0 =	sor.u32 s3, s0;
	s1 =	sshll.u32 s1, $0x11  }
0xc2: {  	s0 =	sor.u32 s1, s0  }
0xc3: {  	s0 =	sadd.s32 $0x8F2B, s0  }
0xc4: {  	[sflag:s0] =	ssyncadd.remote.s32 $0x1  }
0xc5: {  	_ =	sfence.sel $0xFFFF  }
0xc6: {  	[dreg:$0x0] =	wrdreg $0xFFFFFFFF;
	(pc) =	sbr.abs _section_cstart, $3  }
0xc7: {  	[dreg:$0x1] =	wrdreg $0xFFFFFFFF  }
0xc8: {  	_ =	task.clear_ibuf [dreg:s8], $0x2FFFF;
	_ =	strace $0x9FFFFFFF  }
0xc9: {  	(tm) =	ssettm $0x7FFFFFFF  }
tec
execute0_lowered:
.L_overlay_start_1:
0x0: {  	(tag) =	ssettag $0x1  }
0x1: {  	s1 =	rddreg [dreg:$0x0]  }
0x2: {  	s2 =	rddreg [dreg:$0x1]  }
0x3: {  	s7 =	rddreg [dreg:$0x2]  }
0x4: {  	s0 =	rddreg [dreg:$0x3]  }
0x5: {  	s3 =	simm.s32 $0x0;
	s8 =	srdreg.scid;
	s14 =	simm.s32 $0x5000  }
0x6: {  	s15 =	simm.s32 $0x5800;
	s16 =	simm.s32 $0x6000;
	s17 =	simm.s32 $0x0  }
0x7: {  	[smem:$0x7FF] =	sst s3;
	s4 =	sadd.s32 $0xF0C00, s7;
	s5 =	sadd.s32 $0xFAC00, s7  }
.Ltmp0:
0x8: {  	s6 =	sadd.s32 $0x104C00, s7;
	s12 =	sand.u32 $0x1, s8;
	(pc) =	sbr.rel .LBB2_1-.Ltmp0, $4  }
0x9: {  	s8 =	sadd.s32 $0x10EC00, s7;
	s9 =	sadd.s32 $0xC00, s7;
	s11 =	ssub.s32 $0x2, s12  }
0xa: {  	s10 =	sadd.s32 $0xAC00, s7;
	s7 =	stileid.u32;
	s13 =	sshrl.u32 s11, $0x1  }
0xb: {  	_ =	strace $0x8000004A;
	p0 =	seq.s32 s12, $0x1;
	s13 =	ssub.s32 s11, s13  }
0xc: {  	s11 =	smul.u32 $0x5000, s7;
	s12 =	smax.u32 s13, $0x1;
	s13 =	simm.s32 $0x1  }
.LBB2_10:
0xd: {  	s17 =	sadd.s32 $0x1, s17  }
0xe: {  	p1 =	sne.s32 s17, s12  }
.Ltmp1:
0xf: {  	_ = 	snop;
	(pc) =	sbr.rel @!p1 .LBB2_11-.Ltmp1, $1  }
0x10: {  	_ =	sdelay $0x3  }
.LBB2_1:
.Ltmp2:
0x11: {  	(pc) =	sbr.rel @!p0 .LBB2_2-.Ltmp2, $2  }
0x12: {  	_ =	sdelay $0x2  }
0x13: {  	s18 =	simm.s32 $0x0  }
0x14: {  	[tilespmem:s18], [sflag:$0x1] =	stream.linear.gather [hbm4b:s2+s18], $0x5000, $0x38;
	[tilespmem:$0x6800] =	vst v63  }
0x15: {  	_ =	swait.ge [sflag:s13], $0x5000  }
0x16: {  	[sflag:s13] =	ssyncset.done $0x0  }
0x17: {  	s19 =	simm.s32 $0x0;
	[sflag:s13] =	ssyncadd.s32 $0xFFFFB000  }
.LBB2_7:
0x18: {  	s20 =	sshll.u32 s19, $0xB  }
0x19: {  	s20 =	sadd.s32 s11, s20  }
0x1a: {  	s20 =	sshrl.u32 s20, $0x3  }
0x1b: {  	s21 =	sadd.s32 s6, s20  }
0x1c: {  	[tilespmem:s14], [sflag:$0x1] =	stream.linear.gather [hbm4b:s21+s18], $0x800, $0x38;
	[tilespmem:$0x6800] =	vst v63  }
0x1d: {  	_ =	swait.ge [sflag:s13], $0x800  }
0x1e: {  	[sflag:s13] =	ssyncset.done $0x0  }
0x1f: {  	s31 =	sadd.s32 s8, s20;
	[sflag:s13] =	ssyncadd.s32 $0xFFFFF800  }
0x20: {  	[tilespmem:s15], [sflag:$0x1] =	stream.linear.gather [hbm4b:s31+s18], $0x800, $0x38;
	[tilespmem:$0x6800] =	vst v63  }
0x21: {  	_ =	swait.ge [sflag:s13], $0x800  }
0x22: {  	[sflag:s13] =	ssyncset.done $0x0  }
0x23: {  	s22 =	simm.s32 $0x0;
	[sflag:s13] =	ssyncadd.s32 $0xFFFFF800  }
0x24: {  	v0 =	vld [tilespmem:s22+$0x5800];
	_ =	sdelay $0x4  }
0x25: {  	v2 =	vadd.s32 $0x2800, v0;
	v0 =	vld [tilespmem:s22+$0x5000];
	_ =	sdelay $0x4  }
0x26: {  	s21 =	simm.s32 $0x10  }
0x27: {  	v1 =	vld [tilespmem:s21+$0x5800]  }
0x28: {  	s23 =	simm.s32 $0x80;
	v2 =	vld.idx.msk [tilespmem:v2+s3+$0x0], $0xffff  }
.LBB2_8:
0x29: {  	p1 =	sne.s32 s23, $0x1FC0;
	v3 =	vld.idx.msk [tilespmem:v0+s3+$0x0], $0xffff;
	_ =	sdelay $0x1  }
0x2a: {  	v0 =	vld [tilespmem:s21+$0x5000];
	_ =	sdelay $0x1  }
0x2b: {  	v4 =	vadd.s32 $0x2800, v1  }
.Ltmp3:
0x2c: {  	(pc) =	sbr.rel @p1 .LBB2_8-.Ltmp3, $4  }
0x2d: {  	v2 =	vadd.f32 v2, v3  }
0x2e: {  	s24 =	sshra.s32 s23, $0x2  }
0x2f: {  	v1 =	vld [tilespmem:s24+$0x5800];
	[tilespmem:s22+$0x6000] =	vst v2;
	s22 =	smov.u32 s21;
	s21 =	smov.u32 s24  }
0x30: {  	s23 =	sadd.s32 $0x40, s23;
	v2 =	vld.idx.msk [tilespmem:v4+s3+$0x0], $0xffff  }
0x31: {  	_ =	sdelay $0x3  }
0x32: {  	v0 =	vld.idx.msk [tilespmem:v0+s3+$0x0], $0xffff  }
0x33: {  	v3 =	vld [tilespmem:s21+$0x5000];
	_ =	sdelay $0x1  }
0x34: {  	v1 =	vadd.s32 $0x2800, v1;
	_ =	sdelay $0x1  }
0x35: {  	v0 =	vadd.f32 v2, v0;
	_ =	sdelay $0x1  }
0x36: {  	[tilespmem:s22+$0x6000] =	vst v0  }
0x37: {  	v0 =	vld.idx.msk [tilespmem:v1+s3+$0x0], $0xffff  }
0x38: {  	v63 =	vld.idx.msk [tilespmem:v3+s3+$0x0], $0xffff;
	_ =	sdelay $0x4  }
0x39: {  	v0 =	vadd.f32 v0, v63  }
0x3a: {  	s19 =	sadd.s32 $0x1, s19  }
0x3b: {  	s20 =	sadd.s32 s10, s20;
	p1 =	sne.s32 s19, $0xA;
	[tilespmem:s21+$0x6000] =	vst v0  }
0x3c: {  	[hbm4b:s20+s3] =	stream.linear.scatter [tilespmem:s16], [sflag:$0x1], $0x800, $0x38;
	[tilespmem:$0x6800] =	vst v63  }
.Ltmp4:
0x3d: {  	_ = 	snop;
	(pc) =	sbr.rel @p1 .LBB2_7-.Ltmp4, $4  }
.Ltmp5:
0x3e: {  	_ = 	snop;
	(pc) =	sbr.rel @!p1 .LBB2_10-.Ltmp5, $4  }
0x3f: {  	_ =	swait.ge [sflag:s13], $0x800  }
0x40: {  	[sflag:s13] =	ssyncset.done $0x0  }
0x41: {  	[sflag:s13] =	ssyncadd.s32 $0xFFFFF800  }
0x42: {  	_ = 	snop  }
.LBB2_2:
0x43: {  	[tilespmem:s18], [sflag:$0x1] =	stream.linear.gather [hbm4b:s1+s18], $0x5000, $0x38;
	[tilespmem:$0x6800] =	vst v63  }
0x44: {  	_ =	swait.ge [sflag:s13], $0x5000  }
0x45: {  	[sflag:s13] =	ssyncset.done $0x0  }
0x46: {  	s19 =	simm.s32 $0x0;
	[sflag:s13] =	ssyncadd.s32 $0xFFFFB000  }
.LBB2_3:
0x47: {  	s20 =	sshll.u32 s19, $0xB  }
0x48: {  	s20 =	sadd.s32 s11, s20  }
0x49: {  	s20 =	sshrl.u32 s20, $0x3  }
0x4a: {  	s21 =	sadd.s32 s4, s20  }
0x4b: {  	[tilespmem:s14], [sflag:$0x1] =	stream.linear.gather [hbm4b:s21+s18], $0x800, $0x38;
	[tilespmem:$0x6800] =	vst v63  }
0x4c: {  	_ =	swait.ge [sflag:s13], $0x800  }
0x4d: {  	[sflag:s13] =	ssyncset.done $0x0  }
0x4e: {  	s31 =	sadd.s32 s5, s20;
	[sflag:s13] =	ssyncadd.s32 $0xFFFFF800  }
0x4f: {  	[tilespmem:s15], [sflag:$0x1] =	stream.linear.gather [hbm4b:s31+s18], $0x800, $0x38;
	[tilespmem:$0x6800] =	vst v63  }
0x50: {  	_ =	swait.ge [sflag:s13], $0x800  }
0x51: {  	[sflag:s13] =	ssyncset.done $0x0  }
0x52: {  	s22 =	simm.s32 $0x0;
	[sflag:s13] =	ssyncadd.s32 $0xFFFFF800  }
0x53: {  	v0 =	vld [tilespmem:s22+$0x5800];
	_ =	sdelay $0x4  }
0x54: {  	v2 =	vadd.s32 $0x2800, v0;
	v0 =	vld [tilespmem:s22+$0x5000];
	_ =	sdelay $0x4  }
0x55: {  	s21 =	simm.s32 $0x10  }
0x56: {  	v1 =	vld [tilespmem:s21+$0x5800]  }
0x57: {  	s23 =	simm.s32 $0x80;
	v2 =	vld.idx.msk [tilespmem:v2+s3+$0x0], $0xffff  }
.LBB2_4:
0x58: {  	p1 =	sne.s32 s23, $0x1FC0;
	v3 =	vld.idx.msk [tilespmem:v0+s3+$0x0], $0xffff;
	_ =	sdelay $0x1  }
0x59: {  	v0 =	vld [tilespmem:s21+$0x5000];
	_ =	sdelay $0x1  }
0x5a: {  	v4 =	vadd.s32 $0x2800, v1  }
.Ltmp6:
0x5b: {  	(pc) =	sbr.rel @p1 .LBB2_4-.Ltmp6, $4  }
0x5c: {  	v2 =	vadd.f32 v2, v3  }
0x5d: {  	s24 =	sshra.s32 s23, $0x2  }
0x5e: {  	v1 =	vld [tilespmem:s24+$0x5800];
	[tilespmem:s22+$0x6000] =	vst v2;
	s22 =	smov.u32 s21;
	s21 =	smov.u32 s24  }
0x5f: {  	s23 =	sadd.s32 $0x40, s23;
	v2 =	vld.idx.msk [tilespmem:v4+s3+$0x0], $0xffff  }
0x60: {  	_ =	sdelay $0x3  }
0x61: {  	v0 =	vld.idx.msk [tilespmem:v0+s3+$0x0], $0xffff  }
0x62: {  	v3 =	vld [tilespmem:s21+$0x5000];
	_ =	sdelay $0x1  }
0x63: {  	v1 =	vadd.s32 $0x2800, v1;
	_ =	sdelay $0x1  }
0x64: {  	v0 =	vadd.f32 v2, v0;
	_ =	sdelay $0x1  }
0x65: {  	[tilespmem:s22+$0x6000] =	vst v0  }
0x66: {  	v0 =	vld.idx.msk [tilespmem:v1+s3+$0x0], $0xffff  }
0x67: {  	v63 =	vld.idx.msk [tilespmem:v3+s3+$0x0], $0xffff;
	_ =	sdelay $0x4  }
0x68: {  	v0 =	vadd.f32 v0, v63  }
0x69: {  	s19 =	sadd.s32 $0x1, s19  }
0x6a: {  	s20 =	sadd.s32 s9, s20;
	p1 =	seq.s32 s19, $0xA;
	[tilespmem:s21+$0x6000] =	vst v0  }
0x6b: {  	[hbm4b:s20+s3] =	stream.linear.scatter [tilespmem:s16], [sflag:$0x1], $0x800, $0x38;
	[tilespmem:$0x6800] =	vst v63  }
.Ltmp7:
0x6c: {  	_ = 	snop;
	(pc) =	sbr.rel @!p1 .LBB2_3-.Ltmp7, $4  }
.Ltmp8:
0x6d: {  	_ = 	snop;
	(pc) =	sbr.rel @p1 .LBB2_10-.Ltmp8, $4  }
0x6e: {  	_ =	swait.ge [sflag:s13], $0x800  }
0x6f: {  	[sflag:s13] =	ssyncset.done $0x0  }
0x70: {  	[sflag:s13] =	ssyncadd.s32 $0xFFFFF800  }
0x71: {  	_ = 	snop  }
.LBB2_11:
0x72: {  	_ =	sfence.sel $0x180000  }
0x73: {  	[bflag:$0x0] =	sbarrier.arrive $0xFFFF  }
0x74: {  	p0 =	sne.s32 s7, $0x0;
	_ =	strace $0x9000004A  }
0x75: {  	s0 =	sadd.s32 @!p0 $0x100000, s0;
	[bflag:$0x2] =	sbarrier.arrive $0xFFFF  }
0x76: {  	[sflag:s0] =	ssyncadd.tile.s32 @!p0 $0x1;
	_ =	shalt  }
.Lfunc_end2:
_tile_overlayer_lowered:
.L_overlay_start_2:
0x77: {  	(tag) =	ssettag $0x2  }
0x78: {  	s0 =	rddreg [dreg:$0x0];
	s2 =	stileid.u32  }
0x79: {  	s1 =	rddreg [dreg:$0x1];
	p0 =	sne.s32 s2, $0x0  }
0x7a: {  	s3 =	rddreg [dreg:$0x2];
	[bflag:$0x3] =	sbarrier.arrive $0xFFFF;
	s2 =	simm.s32 @!p0 $0x1C01  }
0x7b: {  	[timem:s3], [sflag:s2] =	dma.local @!p0 [hbm:s0], s1  }
0x7c: {  	s0 =	simm.s32 @!p0 $0x1  }
0x7d: {  	_ =	swait.ge @!p0 [sflag:s0], s1  }
0x7e: {  	s1 =	ssub.s32 @!p0 $0x0, s1;
	[sflag:s0] =	ssyncset.done @!p0 $0x0  }
0x7f: {  	[sflag:s0] =	ssyncadd.s32 @!p0 s1  }
0x80: {  	[bflag:$0x3] =	sbarrier.arrive $0xFFFF  }
0x81: {  	_ =	shalt  }

</sc_bundles>
